<compile_context>
chip_gen: v7x
topology: tpu7x:2x2x1
jax: 0.10.2.dev20260603
libtpu: 0.0.44.dev20260713+nightly
codegen_flags: <defaults>
</compile_context>

<pallas_src>
import functools

import jax
import jax.numpy as jnp
from jax import lax
from jax.experimental import pallas as pl
from jax.experimental.pallas import tpu as pltpu
from jax.experimental.pallas import tpu_sc as plsc

B, T, D = 8, 4096, 256
S = 512
H = 256
P = 1024

CHUNK = 256
NCH = T // CHUNK

NC, NS = 2, 16
NW = NC * NS
RPW = 2 * B * S // NW
KPW = RPW // 128
SPB = S // 128


def _cumsum_body(frames_ref, out_ref):
    x = frames_ref[0]
    rid = lax.broadcasted_iota(jnp.int32, (NCH, T), 0)
    cid = lax.broadcasted_iota(jnp.int32, (NCH, T), 1) // CHUNK
    csel = (cid == rid).astype(jnp.float32)
    csum = jnp.dot(csel, x, preferred_element_type=jnp.float32)
    r32 = lax.broadcasted_iota(jnp.int32, (NCH, NCH), 0)
    c32 = lax.broadcasted_iota(jnp.int32, (NCH, NCH), 1)
    lc = (r32 > c32).astype(jnp.float32)
    carry = jnp.dot(lc, csum, preferred_element_type=jnp.float32)
    rf = lax.broadcasted_iota(jnp.int32, (CHUNK, CHUNK), 0)
    cf = lax.broadcasted_iota(jnp.int32, (CHUNK, CHUNK), 1)
    lf = (rf > cf).astype(jnp.float32)
    for c in range(NCH):
        blk = x[c * CHUNK:(c + 1) * CHUNK, :]
        loc = jnp.dot(lf, blk, preferred_element_type=jnp.float32)
        out_ref[0, c * CHUNK:(c + 1) * CHUNK, :] = loc + carry[c:c + 1, :]


def _sc_gather(table_hbm, s_hbm, e_hbm, out_hbm, idx_v, rows_v, sem):
    wid = lax.axis_index("s") * NC + lax.axis_index("c")
    half = NW // 2
    is_end = wid >= half
    w = jnp.where(is_end, wid - half, wid)
    b = w // (half // B)

    @pl.when(jnp.logical_not(is_end))
    def _():
        pltpu.sync_copy(s_hbm.at[pl.ds(w * KPW, KPW)], idx_v)

    @pl.when(is_end)
    def _():
        pltpu.sync_copy(e_hbm.at[pl.ds(w * KPW, KPW)], idx_v)

    off = (b * T).astype(jnp.int32)
    for k in range(KPW):
        for j in range(128 // 16):
            sl = idx_v[k, pl.ds(j * 16, 16)]
            idx_v[k, pl.ds(j * 16, 16)] = sl + off

    cps = [pltpu.async_copy(table_hbm.at[idx_v.at[k]], rows_v.at[k], sem)
           for k in range(KPW)]
    for cp in cps:
        cp.wait()
    base = wid * RPW
    for k in range(KPW):
        pltpu.sync_copy(rows_v.at[k], out_hbm.at[pl.ds(base + k * 128, 128)])


def _mlp_body(gs_ref, ge_ref, s_ref, e_ref, gamma_ref, beta_ref, w1_ref,
              b1_ref, w2_ref, b2_ref, out_ref):
    gs = gs_ref[0]
    ge = ge_ref[0]
    s = s_ref[0]
    e = e_ref[0]
    invlen = 1.0 / jnp.maximum(e - s, 1).astype(jnp.float32)
    rr = lax.broadcasted_iota(jnp.int32, (S, S), 0)
    cr = lax.broadcasted_iota(jnp.int32, (S, S), 1)
    dg = jnp.where(rr == cr, jnp.broadcast_to(invlen, (S, S)), 0.0)
    xm = jnp.dot(dg, ge - gs, preferred_element_type=jnp.float32)
    mu = jnp.mean(xm, axis=1, keepdims=True)
    var = jnp.mean((xm - mu) ** 2, axis=1, keepdims=True)
    xn = (xm - mu) * lax.rsqrt(var + 1e-5)
    h = xn * gamma_ref[0] + beta_ref[0]
    h = jnp.dot(h, w1_ref[...], preferred_element_type=jnp.float32) + b1_ref[0]
    h = 0.5 * h * (1.0 + lax.erf(h * 0.7071067811865476))
    out_ref[0] = (jnp.dot(h, w2_ref[...], preferred_element_type=jnp.float32)
                  + b2_ref[0])


@functools.lru_cache(maxsize=1)
def _make_gather_call():
    return functools.partial(
        pl.kernel,
        mesh=plsc.VectorSubcoreMesh(core_axis_name="c", subcore_axis_name="s"),
        out_type=jax.ShapeDtypeStruct((2 * B * S, D), jnp.float32),
        scratch_types=[
            pltpu.VMEM((KPW, 128), jnp.int32),
            pltpu.VMEM((KPW, 128, D), jnp.float32),
            pltpu.SemaphoreType.DMA,
        ],
    )(_sc_gather)


def _gather_call(table, s2, e2):
    return _make_gather_call()(table, s2, e2)


@jax.jit
def _run(frames, starts, ends, ln_gamma, ln_beta, w1, b1, w2, b2):
    s32 = starts.astype(jnp.int32)
    e32 = ends.astype(jnp.int32)
    cumx = pl.pallas_call(
        _cumsum_body,
        grid=(B,),
        in_specs=[pl.BlockSpec((1, T, D), lambda b: (b, 0, 0))],
        out_specs=pl.BlockSpec((1, T, D), lambda b: (b, 0, 0)),
        out_shape=jax.ShapeDtypeStruct((B, T, D), jnp.float32),
    )(frames)

    g = _gather_call(cumx.reshape(B * T, D),
                     s32.reshape(B * SPB, 128), e32.reshape(B * SPB, 128))
    g3 = g.reshape(2 * B, S, D)

    full = lambda shape: pl.BlockSpec(shape, lambda b: (0,) * len(shape))
    logits = pl.pallas_call(
        _mlp_body,
        grid=(B,),
        in_specs=[
            pl.BlockSpec((1, S, D), lambda b: (b, 0, 0)),
            pl.BlockSpec((1, S, D), lambda b: (B + b, 0, 0)),
            pl.BlockSpec((1, 1, S), lambda b: (b, 0, 0)),
            pl.BlockSpec((1, 1, S), lambda b: (b, 0, 0)),
            full((1, D)),
            full((1, D)),
            full((D, H)),
            full((1, H)),
            full((H, P)),
            full((1, P)),
        ],
        out_specs=pl.BlockSpec((1, S, P), lambda b: (b, 0, 0)),
        out_shape=jax.ShapeDtypeStruct((B, S, P), jnp.float32),
    )(g3, g3, s32.reshape(B, 1, S), e32.reshape(B, 1, S),
      ln_gamma.reshape(1, D), ln_beta.reshape(1, D),
      w1, b1.reshape(1, H), w2, b2.reshape(1, P))
    return logits


def kernel(frame_features, segment_start_frames, segment_inner_start_frames,
           segment_inner_end_frames, ln_gamma, ln_beta, W1, b1, W2, b2):
    logits = _run(frame_features, segment_inner_start_frames,
                  segment_inner_end_frames, ln_gamma, ln_beta, W1, b1, W2, b2)
    masked_segment_mask = jnp.zeros(segment_start_frames.shape, dtype=bool)
    segment_valid_mask = jnp.zeros(segment_start_frames.shape, dtype=bool)
    return (logits, masked_segment_mask, segment_valid_mask)

# --- scband reference (transcript-rebuilt; emitter-appended) ---
"""Pipeline reference for scband-masked-segment-prediction-head-87763361726481 (READ-ONLY COPY).

The authoritative reference and input builder live on the scoring server;
editing this copy changes nothing except your own understanding.
"""

import jax, jax.numpy as jnp
import numpy as np

B, T, D = 8, 4096, 256
S = 512
H = 256
P = 1024


def setup_inputs(seed: int = 0) -> dict:
    key = jax.random.key(seed)
    ks = jax.random.split(key, 8)
    frame_features = jax.random.normal(ks[0], (B, T, D), dtype=jnp.float32)
    segment_start_frames = jax.random.randint(ks[1], (B, S), 0, T).astype(jnp.int64)
    segment_inner_start_frames = jnp.sort(jax.random.randint(ks[2], (B, S), 0, T), axis=-1).astype(jnp.int64)
    segment_inner_end_frames = jnp.sort(jax.random.randint(ks[3], (B, S), 0, T), axis=-1).astype(jnp.int64)
    ln_gamma = jnp.ones((D,), dtype=jnp.float32)
    ln_beta = jnp.zeros((D,), dtype=jnp.float32)
    W1 = jax.random.normal(ks[4], (D, H), dtype=jnp.float32) * 0.02
    b1 = jnp.zeros((H,), dtype=jnp.float32)
    W2 = jax.random.normal(ks[5], (H, P), dtype=jnp.float32) * 0.02
    b2 = jnp.zeros((P,), dtype=jnp.float32)
    return {
        'frame_features': frame_features,
        'segment_start_frames': segment_start_frames,
        'segment_inner_start_frames': segment_inner_start_frames,
        'segment_inner_end_frames': segment_inner_end_frames,
        'ln_gamma': ln_gamma,
        'ln_beta': ln_beta,
        'W1': W1,
        'b1': b1,
        'W2': W2,
        'b2': b2,
    }


def _pool_segment_means(frame_features, start_frames, end_frames):
    batch_size, num_frames, feature_dim = frame_features.shape
    zero = jnp.zeros((batch_size, 1, feature_dim), dtype=frame_features.dtype)
    cumulative = jnp.concatenate([zero, jnp.cumsum(frame_features, axis=1)], axis=1)
    start_index = jnp.clip(start_frames, 0, num_frames)
    end_index = jnp.clip(end_frames, 0, num_frames)
    end_gather = jnp.take_along_axis(cumulative, end_index[:, :, None], axis=1)
    start_gather = jnp.take_along_axis(cumulative, start_index[:, :, None], axis=1)
    pooled_sum = end_gather - start_gather
    lengths = jnp.clip(end_index - start_index, 1, None).astype(frame_features.dtype)
    return pooled_sum / lengths[:, :, None]


def _predictor(x, ln_gamma, ln_beta, W1, b1, W2, b2):
    mu = jnp.mean(x, axis=-1, keepdims=True)
    var = jnp.mean((x - mu) ** 2, axis=-1, keepdims=True)
    xn = (x - mu) / jnp.sqrt(var + 1e-5)
    h = xn * ln_gamma + ln_beta
    h = h @ W1 + b1
    h = jax.nn.gelu(h, approximate=False)
    # dropout is identity in eval mode
    return h @ W2 + b2


def reference(frame_features, segment_start_frames, segment_inner_start_frames, segment_inner_end_frames, ln_gamma, ln_beta, W1, b1, W2, b2):
    segment_features = _pool_segment_means(frame_features, segment_inner_start_frames, segment_inner_end_frames)
    segment_logits = _predictor(segment_features, ln_gamma, ln_beta, W1, b1, W2, b2)
    masked_segment_mask = jnp.zeros(segment_start_frames.shape, dtype=bool)
    segment_valid_mask = jnp.zeros(segment_start_frames.shape, dtype=bool)
    return (segment_logits, masked_segment_mask, segment_valid_mask)

if __name__ == "__main__":
    import jax
    _d = setup_inputs()
    print(jax.jit(kernel)(*tuple(_d.values())))

</pallas_src>

<mosaic_0001>
#map = affine_map<(d0, d1) -> (0, 0)>
module attributes {stable_mosaic.version = 14 : i64} {
  func.func @_sc_gather(%arg0: i32, %arg1: i32, %arg2: memref<32768x256xf32, #tpu.memory_space<hbm>>, %arg3: memref<32x128xi32, #tpu.memory_space<hbm>>, %arg4: memref<32x128xi32, #tpu.memory_space<hbm>>, %arg5: memref<8192x256xf32, #tpu.memory_space<hbm>>, %arg6: memref<2x128xi32, #tpu.memory_space<vmem>>, %arg7: memref<2x128x256xf32, #tpu.memory_space<vmem>>, %arg8: memref<!tpu.dma_semaphore, #tpu.memory_space<semaphore_mem>>) attributes {dimension_semantics = [#tpu.dimension_semantics<core_parallel>, #tpu.dimension_semantics<subcore_parallel>], iteration_bounds = array<i64: 2, 16>, scalar_prefetch = 0 : i64, scratch_operands = 3 : i64, tpu.core_type = #tpu.core_type<sc_vector_subcore>, window_params = [{transform_indices = #map}, {transform_indices = #map}, {transform_indices = #map}, {transform_indices = #map}]} {
    %mul3A = arith.constant 2 : i32
    %mul3A_0 = arith.muli %arg1, %mul3A : i32
    %add3A = arith.addi %mul3A_0, %arg0 : i32
    %ge3A = arith.constant 16 : i32
    %ge3A_1 = arith.cmpi sge, %add3A, %ge3A : i32
    %sub3A = arith.constant 16 : i32
    %sub3A_2 = arith.subi %add3A, %sub3A : i32
    %select_n3A = arith.select %ge3A_1, %sub3A_2, %add3A : i32
    %jit3A = arith.constant 2 : i32
    %div3A = arith.divsi %select_n3A, %jit3A : i32
    %sign3A = arith.constant 0 : i32
    %sign3A_3 = arith.cmpi sgt, %select_n3A, %sign3A : i32
    %sign3A_4 = arith.extui %sign3A_3 : i1 to i32
    %sign3A_5 = arith.constant 0 : i32
    %sign3A_6 = arith.cmpi slt, %select_n3A, %sign3A_5 : i32
    %sign3A_7 = arith.extui %sign3A_6 : i1 to i32
    %sign3A_8 = arith.subi %sign3A_4, %sign3A_7 : i32
    %sign3A_9 = arith.constant 0 : i32
    %sign3A_10 = arith.cmpi sgt, %jit3A, %sign3A_9 : i32
    %sign3A_11 = arith.extui %sign3A_10 : i1 to i32
    %sign3A_12 = arith.constant 0 : i32
    %sign3A_13 = arith.cmpi slt, %jit3A, %sign3A_12 : i32
    %sign3A_14 = arith.extui %sign3A_13 : i1 to i32
    %sign3A_15 = arith.subi %sign3A_11, %sign3A_14 : i32
    %ne3A = arith.cmpi ne, %sign3A_8, %sign3A_15 : i32
    %rem3A = arith.remsi %select_n3A, %jit3A : i32
    %ne3A_16 = arith.constant 0 : i32
    %ne3A_17 = arith.cmpi ne, %rem3A, %ne3A_16 : i32
    %and3A = arith.andi %ne3A, %ne3A_17 : i1
    %sub3A_18 = arith.constant 1 : i32
    %sub3A_19 = arith.subi %div3A, %sub3A_18 : i32
    %select_n3A_20 = arith.select %and3A, %sub3A_19, %div3A : i32
    %not3A = arith.constant true
    %not3A_21 = arith.xori %ge3A_1, %not3A : i1
    %convert_element_type3A = arith.extui %not3A_21 : i1 to i32
    %cond3A = arith.constant 0 : i32
    %cond3A_22 = arith.cmpi ne, %convert_element_type3A, %cond3A : i32
    scf.if %cond3A_22 {
      %mul3A_287 = arith.constant 2 : i32
      %mul3A_288 = arith.muli %select_n3A, %mul3A_287 : i32
      "tpu.region"() ({
        %run_scoped3A_289 = tpu.sem_alloc : memref<!tpu.dma_semaphore, #tpu.memory_space<semaphore_mem>>
        %dma_start3A_290 = arith.constant 0 : i32
        %dma_start3A_291 = tpu.memref_slice %arg3[%mul3A_288, %dma_start3A_290] : memref<32x128xi32, #tpu.memory_space<hbm>> -> memref<2x128xi32, #tpu.memory_space<hbm>>
        %dma_start3A_292 = arith.constant 0 : i32
        %dma_start3A_293 = tpu.memref_slice %arg3[%mul3A_288, %dma_start3A_292] : memref<32x128xi32, #tpu.memory_space<hbm>> -> memref<2x128xi32, #tpu.memory_space<hbm>>
        tpu.enqueue_dma source(%dma_start3A_293 : memref<2x128xi32, #tpu.memory_space<hbm>>) target(%arg6 : memref<2x128xi32, #tpu.memory_space<vmem>>) target_semaphore(%run_scoped3A_289 : memref<!tpu.dma_semaphore, #tpu.memory_space<semaphore_mem>>)
        %dma_wait3A_294 = arith.constant 0 : i32
        %dma_wait3A_295 = tpu.memref_slice %arg3[%mul3A_288, %dma_wait3A_294] : memref<32x128xi32, #tpu.memory_space<hbm>> -> memref<2x128xi32, #tpu.memory_space<hbm>>
        %dma_wait3A_296 = arith.constant 0 : i32
        %dma_wait3A_297 = tpu.memref_slice %arg3[%mul3A_288, %dma_wait3A_296] : memref<32x128xi32, #tpu.memory_space<hbm>> -> memref<2x128xi32, #tpu.memory_space<hbm>>
        tpu.wait_dma2 semaphore(%run_scoped3A_289 : memref<!tpu.dma_semaphore, #tpu.memory_space<semaphore_mem>>) src(%dma_wait3A_297 : memref<2x128xi32, #tpu.memory_space<hbm>>) dst(%arg6 : memref<2x128xi32, #tpu.memory_space<vmem>>)
        tpu.yield
      }) : () -> ()
    } else {
    }
    %convert_element_type3A_23 = arith.extui %ge3A_1 : i1 to i32
    %cond3A_24 = arith.constant 0 : i32
    %cond3A_25 = arith.cmpi ne, %convert_element_type3A_23, %cond3A_24 : i32
    scf.if %cond3A_25 {
      %mul3A_287 = arith.constant 2 : i32
      %mul3A_288 = arith.muli %select_n3A, %mul3A_287 : i32
      "tpu.region"() ({
        %run_scoped3A_289 = tpu.sem_alloc : memref<!tpu.dma_semaphore, #tpu.memory_space<semaphore_mem>>
        %dma_start3A_290 = arith.constant 0 : i32
        %dma_start3A_291 = tpu.memref_slice %arg4[%mul3A_288, %dma_start3A_290] : memref<32x128xi32, #tpu.memory_space<hbm>> -> memref<2x128xi32, #tpu.memory_space<hbm>>
        %dma_start3A_292 = arith.constant 0 : i32
        %dma_start3A_293 = tpu.memref_slice %arg4[%mul3A_288, %dma_start3A_292] : memref<32x128xi32, #tpu.memory_space<hbm>> -> memref<2x128xi32, #tpu.memory_space<hbm>>
        tpu.enqueue_dma source(%dma_start3A_293 : memref<2x128xi32, #tpu.memory_space<hbm>>) target(%arg6 : memref<2x128xi32, #tpu.memory_space<vmem>>) target_semaphore(%run_scoped3A_289 : memref<!tpu.dma_semaphore, #tpu.memory_space<semaphore_mem>>)
        %dma_wait3A_294 = arith.constant 0 : i32
        %dma_wait3A_295 = tpu.memref_slice %arg4[%mul3A_288, %dma_wait3A_294] : memref<32x128xi32, #tpu.memory_space<hbm>> -> memref<2x128xi32, #tpu.memory_space<hbm>>
        %dma_wait3A_296 = arith.constant 0 : i32
        %dma_wait3A_297 = tpu.memref_slice %arg4[%mul3A_288, %dma_wait3A_296] : memref<32x128xi32, #tpu.memory_space<hbm>> -> memref<2x128xi32, #tpu.memory_space<hbm>>
        tpu.wait_dma2 semaphore(%run_scoped3A_289 : memref<!tpu.dma_semaphore, #tpu.memory_space<semaphore_mem>>) src(%dma_wait3A_297 : memref<2x128xi32, #tpu.memory_space<hbm>>) dst(%arg6 : memref<2x128xi32, #tpu.memory_space<vmem>>)
        tpu.yield
      }) : () -> ()
    } else {
    }
    %mul3A_26 = arith.constant 4096 : i32
    %mul3A_27 = arith.muli %select_n3A_20, %mul3A_26 : i32
    %get3A = arith.constant 0 : i32
    %get3A_28 = arith.index_cast %get3A : i32 to index
    %get3A_29 = arith.constant 0 : index
    %get3A_30 = tpu.vector_load %arg6[%get3A_28, %get3A_29] {strides = array<i32>} : memref<2x128xi32, #tpu.memory_space<vmem>>, vector<1x16xi32>,
    %get3A_31 = vector.shape_cast %get3A_30 : vector<1x16xi32> to vector<16xi32>
    %add3A_32 = vector.broadcast %mul3A_27 : i32 to vector<16xi32>
    %add3A_33 = arith.addi %get3A_31, %add3A_32 : vector<16xi32>
    %swap3A = arith.constant 0 : i32
    %swap3A_34 = arith.index_cast %swap3A : i32 to index
    %swap3A_35 = arith.constant 0 : index
    %swap3A_36 = tpu.vector_load %arg6[%swap3A_34, %swap3A_35] {strides = array<i32>} : memref<2x128xi32, #tpu.memory_space<vmem>>, vector<1x16xi32>,
    %swap3A_37 = vector.shape_cast %swap3A_36 : vector<1x16xi32> to vector<16xi32>
    %swap3A_38 = vector.shape_cast %add3A_33 : vector<16xi32> to vector<1x16xi32>
    tpu.vector_store %arg6[%swap3A_34, %swap3A_35], %swap3A_38 {strides = array<i32>} : memref<2x128xi32, #tpu.memory_space<vmem>>, vector<1x16xi32>,
    %get3A_39 = arith.constant 0 : i32
    %get3A_40 = arith.index_cast %get3A_39 : i32 to index
    %get3A_41 = arith.constant 16 : index
    %get3A_42 = tpu.vector_load %arg6[%get3A_40, %get3A_41] {strides = array<i32>} : memref<2x128xi32, #tpu.memory_space<vmem>>, vector<1x16xi32>,
    %get3A_43 = vector.shape_cast %get3A_42 : vector<1x16xi32> to vector<16xi32>
    %add3A_44 = vector.broadcast %mul3A_27 : i32 to vector<16xi32>
    %add3A_45 = arith.addi %get3A_43, %add3A_44 : vector<16xi32>
    %swap3A_46 = arith.constant 0 : i32
    %swap3A_47 = arith.index_cast %swap3A_46 : i32 to index
    %swap3A_48 = arith.constant 16 : index
    %swap3A_49 = tpu.vector_load %arg6[%swap3A_47, %swap3A_48] {strides = array<i32>} : memref<2x128xi32, #tpu.memory_space<vmem>>, vector<1x16xi32>,
    %swap3A_50 = vector.shape_cast %swap3A_49 : vector<1x16xi32> to vector<16xi32>
    %swap3A_51 = vector.shape_cast %add3A_45 : vector<16xi32> to vector<1x16xi32>
    tpu.vector_store %arg6[%swap3A_47, %swap3A_48], %swap3A_51 {strides = array<i32>} : memref<2x128xi32, #tpu.memory_space<vmem>>, vector<1x16xi32>,
    %get3A_52 = arith.constant 0 : i32
    %get3A_53 = arith.index_cast %get3A_52 : i32 to index
    %get3A_54 = arith.constant 32 : index
    %get3A_55 = tpu.vector_load %arg6[%get3A_53, %get3A_54] {strides = array<i32>} : memref<2x128xi32, #tpu.memory_space<vmem>>, vector<1x16xi32>,
    %get3A_56 = vector.shape_cast %get3A_55 : vector<1x16xi32> to vector<16xi32>
    %add3A_57 = vector.broadcast %mul3A_27 : i32 to vector<16xi32>
    %add3A_58 = arith.addi %get3A_56, %add3A_57 : vector<16xi32>
    %swap3A_59 = arith.constant 0 : i32
    %swap3A_60 = arith.index_cast %swap3A_59 : i32 to index
    %swap3A_61 = arith.constant 32 : index
    %swap3A_62 = tpu.vector_load %arg6[%swap3A_60, %swap3A_61] {strides = array<i32>} : memref<2x128xi32, #tpu.memory_space<vmem>>, vector<1x16xi32>,
    %swap3A_63 = vector.shape_cast %swap3A_62 : vector<1x16xi32> to vector<16xi32>
    %swap3A_64 = vector.shape_cast %add3A_58 : vector<16xi32> to vector<1x16xi32>
    tpu.vector_store %arg6[%swap3A_60, %swap3A_61], %swap3A_64 {strides = array<i32>} : memref<2x128xi32, #tpu.memory_space<vmem>>, vector<1x16xi32>,
    %get3A_65 = arith.constant 0 : i32
    %get3A_66 = arith.index_cast %get3A_65 : i32 to index
    %get3A_67 = arith.constant 48 : index
    %get3A_68 = tpu.vector_load %arg6[%get3A_66, %get3A_67] {strides = array<i32>} : memref<2x128xi32, #tpu.memory_space<vmem>>, vector<1x16xi32>,
    %get3A_69 = vector.shape_cast %get3A_68 : vector<1x16xi32> to vector<16xi32>
    %add3A_70 = vector.broadcast %mul3A_27 : i32 to vector<16xi32>
    %add3A_71 = arith.addi %get3A_69, %add3A_70 : vector<16xi32>
    %swap3A_72 = arith.constant 0 : i32
    %swap3A_73 = arith.index_cast %swap3A_72 : i32 to index
    %swap3A_74 = arith.constant 48 : index
    %swap3A_75 = tpu.vector_load %arg6[%swap3A_73, %swap3A_74] {strides = array<i32>} : memref<2x128xi32, #tpu.memory_space<vmem>>, vector<1x16xi32>,
    %swap3A_76 = vector.shape_cast %swap3A_75 : vector<1x16xi32> to vector<16xi32>
    %swap3A_77 = vector.shape_cast %add3A_71 : vector<16xi32> to vector<1x16xi32>
    tpu.vector_store %arg6[%swap3A_73, %swap3A_74], %swap3A_77 {strides = array<i32>} : memref<2x128xi32, #tpu.memory_space<vmem>>, vector<1x16xi32>,
    %get3A_78 = arith.constant 0 : i32
    %get3A_79 = arith.index_cast %get3A_78 : i32 to index
    %get3A_80 = arith.constant 64 : index
    %get3A_81 = tpu.vector_load %arg6[%get3A_79, %get3A_80] {strides = array<i32>} : memref<2x128xi32, #tpu.memory_space<vmem>>, vector<1x16xi32>,
    %get3A_82 = vector.shape_cast %get3A_81 : vector<1x16xi32> to vector<16xi32>
    %add3A_83 = vector.broadcast %mul3A_27 : i32 to vector<16xi32>
    %add3A_84 = arith.addi %get3A_82, %add3A_83 : vector<16xi32>
    %swap3A_85 = arith.constant 0 : i32
    %swap3A_86 = arith.index_cast %swap3A_85 : i32 to index
    %swap3A_87 = arith.constant 64 : index
    %swap3A_88 = tpu.vector_load %arg6[%swap3A_86, %swap3A_87] {strides = array<i32>} : memref<2x128xi32, #tpu.memory_space<vmem>>, vector<1x16xi32>,
    %swap3A_89 = vector.shape_cast %swap3A_88 : vector<1x16xi32> to vector<16xi32>
    %swap3A_90 = vector.shape_cast %add3A_84 : vector<16xi32> to vector<1x16xi32>
    tpu.vector_store %arg6[%swap3A_86, %swap3A_87], %swap3A_90 {strides = array<i32>} : memref<2x128xi32, #tpu.memory_space<vmem>>, vector<1x16xi32>,
    %get3A_91 = arith.constant 0 : i32
    %get3A_92 = arith.index_cast %get3A_91 : i32 to index
    %get3A_93 = arith.constant 80 : index
    %get3A_94 = tpu.vector_load %arg6[%get3A_92, %get3A_93] {strides = array<i32>} : memref<2x128xi32, #tpu.memory_space<vmem>>, vector<1x16xi32>,
    %get3A_95 = vector.shape_cast %get3A_94 : vector<1x16xi32> to vector<16xi32>
    %add3A_96 = vector.broadcast %mul3A_27 : i32 to vector<16xi32>
    %add3A_97 = arith.addi %get3A_95, %add3A_96 : vector<16xi32>
    %swap3A_98 = arith.constant 0 : i32
    %swap3A_99 = arith.index_cast %swap3A_98 : i32 to index
    %swap3A_100 = arith.constant 80 : index
    %swap3A_101 = tpu.vector_load %arg6[%swap3A_99, %swap3A_100] {strides = array<i32>} : memref<2x128xi32, #tpu.memory_space<vmem>>, vector<1x16xi32>,
    %swap3A_102 = vector.shape_cast %swap3A_101 : vector<1x16xi32> to vector<16xi32>
    %swap3A_103 = vector.shape_cast %add3A_97 : vector<16xi32> to vector<1x16xi32>
    tpu.vector_store %arg6[%swap3A_99, %swap3A_100], %swap3A_103 {strides = array<i32>} : memref<2x128xi32, #tpu.memory_space<vmem>>, vector<1x16xi32>,
    %get3A_104 = arith.constant 0 : i32
    %get3A_105 = arith.index_cast %get3A_104 : i32 to index
    %get3A_106 = arith.constant 96 : index
    %get3A_107 = tpu.vector_load %arg6[%get3A_105, %get3A_106] {strides = array<i32>} : memref<2x128xi32, #tpu.memory_space<vmem>>, vector<1x16xi32>,
    %get3A_108 = vector.shape_cast %get3A_107 : vector<1x16xi32> to vector<16xi32>
    %add3A_109 = vector.broadcast %mul3A_27 : i32 to vector<16xi32>
    %add3A_110 = arith.addi %get3A_108, %add3A_109 : vector<16xi32>
    %swap3A_111 = arith.constant 0 : i32
    %swap3A_112 = arith.index_cast %swap3A_111 : i32 to index
    %swap3A_113 = arith.constant 96 : index
    %swap3A_114 = tpu.vector_load %arg6[%swap3A_112, %swap3A_113] {strides = array<i32>} : memref<2x128xi32, #tpu.memory_space<vmem>>, vector<1x16xi32>,
    %swap3A_115 = vector.shape_cast %swap3A_114 : vector<1x16xi32> to vector<16xi32>
    %swap3A_116 = vector.shape_cast %add3A_110 : vector<16xi32> to vector<1x16xi32>
    tpu.vector_store %arg6[%swap3A_112, %swap3A_113], %swap3A_116 {strides = array<i32>} : memref<2x128xi32, #tpu.memory_space<vmem>>, vector<1x16xi32>,
    %get3A_117 = arith.constant 0 : i32
    %get3A_118 = arith.index_cast %get3A_117 : i32 to index
    %get3A_119 = arith.constant 112 : index
    %get3A_120 = tpu.vector_load %arg6[%get3A_118, %get3A_119] {strides = array<i32>} : memref<2x128xi32, #tpu.memory_space<vmem>>, vector<1x16xi32>,
    %get3A_121 = vector.shape_cast %get3A_120 : vector<1x16xi32> to vector<16xi32>
    %add3A_122 = vector.broadcast %mul3A_27 : i32 to vector<16xi32>
    %add3A_123 = arith.addi %get3A_121, %add3A_122 : vector<16xi32>
    %swap3A_124 = arith.constant 0 : i32
    %swap3A_125 = arith.index_cast %swap3A_124 : i32 to index
    %swap3A_126 = arith.constant 112 : index
    %swap3A_127 = tpu.vector_load %arg6[%swap3A_125, %swap3A_126] {strides = array<i32>} : memref<2x128xi32, #tpu.memory_space<vmem>>, vector<1x16xi32>,
    %swap3A_128 = vector.shape_cast %swap3A_127 : vector<1x16xi32> to vector<16xi32>
    %swap3A_129 = vector.shape_cast %add3A_123 : vector<16xi32> to vector<1x16xi32>
    tpu.vector_store %arg6[%swap3A_125, %swap3A_126], %swap3A_129 {strides = array<i32>} : memref<2x128xi32, #tpu.memory_space<vmem>>, vector<1x16xi32>,
    %get3A_130 = arith.constant 1 : i32
    %get3A_131 = arith.index_cast %get3A_130 : i32 to index
    %get3A_132 = arith.constant 0 : index
    %get3A_133 = tpu.vector_load %arg6[%get3A_131, %get3A_132] {strides = array<i32>} : memref<2x128xi32, #tpu.memory_space<vmem>>, vector<1x16xi32>,
    %get3A_134 = vector.shape_cast %get3A_133 : vector<1x16xi32> to vector<16xi32>
    %add3A_135 = vector.broadcast %mul3A_27 : i32 to vector<16xi32>
    %add3A_136 = arith.addi %get3A_134, %add3A_135 : vector<16xi32>
    %swap3A_137 = arith.constant 1 : i32
    %swap3A_138 = arith.index_cast %swap3A_137 : i32 to index
    %swap3A_139 = arith.constant 0 : index
    %swap3A_140 = tpu.vector_load %arg6[%swap3A_138, %swap3A_139] {strides = array<i32>} : memref<2x128xi32, #tpu.memory_space<vmem>>, vector<1x16xi32>,
    %swap3A_141 = vector.shape_cast %swap3A_140 : vector<1x16xi32> to vector<16xi32>
    %swap3A_142 = vector.shape_cast %add3A_136 : vector<16xi32> to vector<1x16xi32>
    tpu.vector_store %arg6[%swap3A_138, %swap3A_139], %swap3A_142 {strides = array<i32>} : memref<2x128xi32, #tpu.memory_space<vmem>>, vector<1x16xi32>,
    %get3A_143 = arith.constant 1 : i32
    %get3A_144 = arith.index_cast %get3A_143 : i32 to index
    %get3A_145 = arith.constant 16 : index
    %get3A_146 = tpu.vector_load %arg6[%get3A_144, %get3A_145] {strides = array<i32>} : memref<2x128xi32, #tpu.memory_space<vmem>>, vector<1x16xi32>,
    %get3A_147 = vector.shape_cast %get3A_146 : vector<1x16xi32> to vector<16xi32>
    %add3A_148 = vector.broadcast %mul3A_27 : i32 to vector<16xi32>
    %add3A_149 = arith.addi %get3A_147, %add3A_148 : vector<16xi32>
    %swap3A_150 = arith.constant 1 : i32
    %swap3A_151 = arith.index_cast %swap3A_150 : i32 to index
    %swap3A_152 = arith.constant 16 : index
    %swap3A_153 = tpu.vector_load %arg6[%swap3A_151, %swap3A_152] {strides = array<i32>} : memref<2x128xi32, #tpu.memory_space<vmem>>, vector<1x16xi32>,
    %swap3A_154 = vector.shape_cast %swap3A_153 : vector<1x16xi32> to vector<16xi32>
    %swap3A_155 = vector.shape_cast %add3A_149 : vector<16xi32> to vector<1x16xi32>
    tpu.vector_store %arg6[%swap3A_151, %swap3A_152], %swap3A_155 {strides = array<i32>} : memref<2x128xi32, #tpu.memory_space<vmem>>, vector<1x16xi32>,
    %get3A_156 = arith.constant 1 : i32
    %get3A_157 = arith.index_cast %get3A_156 : i32 to index
    %get3A_158 = arith.constant 32 : index
    %get3A_159 = tpu.vector_load %arg6[%get3A_157, %get3A_158] {strides = array<i32>} : memref<2x128xi32, #tpu.memory_space<vmem>>, vector<1x16xi32>,
    %get3A_160 = vector.shape_cast %get3A_159 : vector<1x16xi32> to vector<16xi32>
    %add3A_161 = vector.broadcast %mul3A_27 : i32 to vector<16xi32>
    %add3A_162 = arith.addi %get3A_160, %add3A_161 : vector<16xi32>
    %swap3A_163 = arith.constant 1 : i32
    %swap3A_164 = arith.index_cast %swap3A_163 : i32 to index
    %swap3A_165 = arith.constant 32 : index
    %swap3A_166 = tpu.vector_load %arg6[%swap3A_164, %swap3A_165] {strides = array<i32>} : memref<2x128xi32, #tpu.memory_space<vmem>>, vector<1x16xi32>,
    %swap3A_167 = vector.shape_cast %swap3A_166 : vector<1x16xi32> to vector<16xi32>
    %swap3A_168 = vector.shape_cast %add3A_162 : vector<16xi32> to vector<1x16xi32>
    tpu.vector_store %arg6[%swap3A_164, %swap3A_165], %swap3A_168 {strides = array<i32>} : memref<2x128xi32, #tpu.memory_space<vmem>>, vector<1x16xi32>,
    %get3A_169 = arith.constant 1 : i32
    %get3A_170 = arith.index_cast %get3A_169 : i32 to index
    %get3A_171 = arith.constant 48 : index
    %get3A_172 = tpu.vector_load %arg6[%get3A_170, %get3A_171] {strides = array<i32>} : memref<2x128xi32, #tpu.memory_space<vmem>>, vector<1x16xi32>,
    %get3A_173 = vector.shape_cast %get3A_172 : vector<1x16xi32> to vector<16xi32>
    %add3A_174 = vector.broadcast %mul3A_27 : i32 to vector<16xi32>
    %add3A_175 = arith.addi %get3A_173, %add3A_174 : vector<16xi32>
    %swap3A_176 = arith.constant 1 : i32
    %swap3A_177 = arith.index_cast %swap3A_176 : i32 to index
    %swap3A_178 = arith.constant 48 : index
    %swap3A_179 = tpu.vector_load %arg6[%swap3A_177, %swap3A_178] {strides = array<i32>} : memref<2x128xi32, #tpu.memory_space<vmem>>, vector<1x16xi32>,
    %swap3A_180 = vector.shape_cast %swap3A_179 : vector<1x16xi32> to vector<16xi32>
    %swap3A_181 = vector.shape_cast %add3A_175 : vector<16xi32> to vector<1x16xi32>
    tpu.vector_store %arg6[%swap3A_177, %swap3A_178], %swap3A_181 {strides = array<i32>} : memref<2x128xi32, #tpu.memory_space<vmem>>, vector<1x16xi32>,
    %get3A_182 = arith.constant 1 : i32
    %get3A_183 = arith.index_cast %get3A_182 : i32 to index
    %get3A_184 = arith.constant 64 : index
    %get3A_185 = tpu.vector_load %arg6[%get3A_183, %get3A_184] {strides = array<i32>} : memref<2x128xi32, #tpu.memory_space<vmem>>, vector<1x16xi32>,
    %get3A_186 = vector.shape_cast %get3A_185 : vector<1x16xi32> to vector<16xi32>
    %add3A_187 = vector.broadcast %mul3A_27 : i32 to vector<16xi32>
    %add3A_188 = arith.addi %get3A_186, %add3A_187 : vector<16xi32>
    %swap3A_189 = arith.constant 1 : i32
    %swap3A_190 = arith.index_cast %swap3A_189 : i32 to index
    %swap3A_191 = arith.constant 64 : index
    %swap3A_192 = tpu.vector_load %arg6[%swap3A_190, %swap3A_191] {strides = array<i32>} : memref<2x128xi32, #tpu.memory_space<vmem>>, vector<1x16xi32>,
    %swap3A_193 = vector.shape_cast %swap3A_192 : vector<1x16xi32> to vector<16xi32>
    %swap3A_194 = vector.shape_cast %add3A_188 : vector<16xi32> to vector<1x16xi32>
    tpu.vector_store %arg6[%swap3A_190, %swap3A_191], %swap3A_194 {strides = array<i32>} : memref<2x128xi32, #tpu.memory_space<vmem>>, vector<1x16xi32>,
    %get3A_195 = arith.constant 1 : i32
    %get3A_196 = arith.index_cast %get3A_195 : i32 to index
    %get3A_197 = arith.constant 80 : index
    %get3A_198 = tpu.vector_load %arg6[%get3A_196, %get3A_197] {strides = array<i32>} : memref<2x128xi32, #tpu.memory_space<vmem>>, vector<1x16xi32>,
    %get3A_199 = vector.shape_cast %get3A_198 : vector<1x16xi32> to vector<16xi32>
    %add3A_200 = vector.broadcast %mul3A_27 : i32 to vector<16xi32>
    %add3A_201 = arith.addi %get3A_199, %add3A_200 : vector<16xi32>
    %swap3A_202 = arith.constant 1 : i32
    %swap3A_203 = arith.index_cast %swap3A_202 : i32 to index
    %swap3A_204 = arith.constant 80 : index
    %swap3A_205 = tpu.vector_load %arg6[%swap3A_203, %swap3A_204] {strides = array<i32>} : memref<2x128xi32, #tpu.memory_space<vmem>>, vector<1x16xi32>,
    %swap3A_206 = vector.shape_cast %swap3A_205 : vector<1x16xi32> to vector<16xi32>
    %swap3A_207 = vector.shape_cast %add3A_201 : vector<16xi32> to vector<1x16xi32>
    tpu.vector_store %arg6[%swap3A_203, %swap3A_204], %swap3A_207 {strides = array<i32>} : memref<2x128xi32, #tpu.memory_space<vmem>>, vector<1x16xi32>,
    %get3A_208 = arith.constant 1 : i32
    %get3A_209 = arith.index_cast %get3A_208 : i32 to index
    %get3A_210 = arith.constant 96 : index
    %get3A_211 = tpu.vector_load %arg6[%get3A_209, %get3A_210] {strides = array<i32>} : memref<2x128xi32, #tpu.memory_space<vmem>>, vector<1x16xi32>,
    %get3A_212 = vector.shape_cast %get3A_211 : vector<1x16xi32> to vector<16xi32>
    %add3A_213 = vector.broadcast %mul3A_27 : i32 to vector<16xi32>
    %add3A_214 = arith.addi %get3A_212, %add3A_213 : vector<16xi32>
    %swap3A_215 = arith.constant 1 : i32
    %swap3A_216 = arith.index_cast %swap3A_215 : i32 to index
    %swap3A_217 = arith.constant 96 : index
    %swap3A_218 = tpu.vector_load %arg6[%swap3A_216, %swap3A_217] {strides = array<i32>} : memref<2x128xi32, #tpu.memory_space<vmem>>, vector<1x16xi32>,
    %swap3A_219 = vector.shape_cast %swap3A_218 : vector<1x16xi32> to vector<16xi32>
    %swap3A_220 = vector.shape_cast %add3A_214 : vector<16xi32> to vector<1x16xi32>
    tpu.vector_store %arg6[%swap3A_216, %swap3A_217], %swap3A_220 {strides = array<i32>} : memref<2x128xi32, #tpu.memory_space<vmem>>, vector<1x16xi32>,
    %get3A_221 = arith.constant 1 : i32
    %get3A_222 = arith.index_cast %get3A_221 : i32 to index
    %get3A_223 = arith.constant 112 : index
    %get3A_224 = tpu.vector_load %arg6[%get3A_222, %get3A_223] {strides = array<i32>} : memref<2x128xi32, #tpu.memory_space<vmem>>, vector<1x16xi32>,
    %get3A_225 = vector.shape_cast %get3A_224 : vector<1x16xi32> to vector<16xi32>
    %add3A_226 = vector.broadcast %mul3A_27 : i32 to vector<16xi32>
    %add3A_227 = arith.addi %get3A_225, %add3A_226 : vector<16xi32>
    %swap3A_228 = arith.constant 1 : i32
    %swap3A_229 = arith.index_cast %swap3A_228 : i32 to index
    %swap3A_230 = arith.constant 112 : index
    %swap3A_231 = tpu.vector_load %arg6[%swap3A_229, %swap3A_230] {strides = array<i32>} : memref<2x128xi32, #tpu.memory_space<vmem>>, vector<1x16xi32>,
    %swap3A_232 = vector.shape_cast %swap3A_231 : vector<1x16xi32> to vector<16xi32>
    %swap3A_233 = vector.shape_cast %add3A_227 : vector<16xi32> to vector<1x16xi32>
    tpu.vector_store %arg6[%swap3A_229, %swap3A_230], %swap3A_233 {strides = array<i32>} : memref<2x128xi32, #tpu.memory_space<vmem>>, vector<1x16xi32>,
    %dma_start3A = arith.constant 0 : i32
    %dma_start3A_234 = arith.constant 0 : i32
    %dma_start3A_235 = arith.constant 0 : i32
    %dma_start3A_236 = arith.constant 0 : i32
    %dma_start3A_237 = tpu.memref_slice %arg7[%dma_start3A_234, %dma_start3A_235, %dma_start3A_236] : memref<2x128x256xf32, #tpu.memory_space<vmem>> -> memref<1x128x256xf32, #tpu.memory_space<vmem>>
    %dma_start3A_238 = tpu.memref_squeeze %dma_start3A_237 : memref<1x128x256xf32, #tpu.memory_space<vmem>> -> memref<128x256xf32, #tpu.memory_space<vmem>>
    %dma_start3A_239 = arith.constant 0 : i32
    %dma_start3A_240 = tpu.memref_slice %arg6[%dma_start3A, %dma_start3A_239] : memref<2x128xi32, #tpu.memory_space<vmem>> -> memref<1x128xi32, #tpu.memory_space<vmem>>
    %dma_start3A_241 = tpu.memref_squeeze %dma_start3A_240 : memref<1x128xi32, #tpu.memory_space<vmem>> -> memref<128xi32, #tpu.memory_space<vmem>>
    %dma_start3A_242 = arith.constant 0 : i32
    %dma_start3A_243 = arith.constant 0 : i32
    %dma_start3A_244 = tpu.memref_slice %arg2[%dma_start3A_242, %dma_start3A_243] : memref<32768x256xf32, #tpu.memory_space<hbm>> -> memref<32768x256xf32, #tpu.memory_space<hbm>>
    tpu.enqueue_indirect_dma source(%dma_start3A_244 : memref<32768x256xf32, #tpu.memory_space<hbm>>) target(%dma_start3A_238 : memref<128x256xf32, #tpu.memory_space<vmem>>) offsets(%dma_start3A_241 : memref<128xi32, #tpu.memory_space<vmem>>) semaphore(%arg8 : memref<!tpu.dma_semaphore, #tpu.memory_space<semaphore_mem>>)
    %dma_start3A_245 = arith.constant 1 : i32
    %dma_start3A_246 = arith.constant 1 : i32
    %dma_start3A_247 = arith.constant 0 : i32
    %dma_start3A_248 = arith.constant 0 : i32
    %dma_start3A_249 = tpu.memref_slice %arg7[%dma_start3A_246, %dma_start3A_247, %dma_start3A_248] : memref<2x128x256xf32, #tpu.memory_space<vmem>> -> memref<1x128x256xf32, #tpu.memory_space<vmem>>
    %dma_start3A_250 = tpu.memref_squeeze %dma_start3A_249 : memref<1x128x256xf32, #tpu.memory_space<vmem>> -> memref<128x256xf32, #tpu.memory_space<vmem>>
    %dma_start3A_251 = arith.constant 0 : i32
    %dma_start3A_252 = tpu.memref_slice %arg6[%dma_start3A_245, %dma_start3A_251] : memref<2x128xi32, #tpu.memory_space<vmem>> -> memref<1x128xi32, #tpu.memory_space<vmem>>
    %dma_start3A_253 = tpu.memref_squeeze %dma_start3A_252 : memref<1x128xi32, #tpu.memory_space<vmem>> -> memref<128xi32, #tpu.memory_space<vmem>>
    %dma_start3A_254 = arith.constant 0 : i32
    %dma_start3A_255 = arith.constant 0 : i32
    %dma_start3A_256 = tpu.memref_slice %arg2[%dma_start3A_254, %dma_start3A_255] : memref<32768x256xf32, #tpu.memory_space<hbm>> -> memref<32768x256xf32, #tpu.memory_space<hbm>>
    tpu.enqueue_indirect_dma source(%dma_start3A_256 : memref<32768x256xf32, #tpu.memory_space<hbm>>) target(%dma_start3A_250 : memref<128x256xf32, #tpu.memory_space<vmem>>) offsets(%dma_start3A_253 : memref<128xi32, #tpu.memory_space<vmem>>) semaphore(%arg8 : memref<!tpu.dma_semaphore, #tpu.memory_space<semaphore_mem>>)
    %dma_wait3A = arith.constant 0 : i32
    %dma_wait3A_257 = arith.constant 0 : i32
    %dma_wait3A_258 = arith.constant 0 : i32
    %dma_wait3A_259 = arith.constant 0 : i32
    %dma_wait3A_260 = tpu.memref_slice %arg7[%dma_wait3A_257, %dma_wait3A_258, %dma_wait3A_259] : memref<2x128x256xf32, #tpu.memory_space<vmem>> -> memref<1x128x256xf32, #tpu.memory_space<vmem>>
    %dma_wait3A_261 = tpu.memref_squeeze %dma_wait3A_260 : memref<1x128x256xf32, #tpu.memory_space<vmem>> -> memref<128x256xf32, #tpu.memory_space<vmem>>
    %dma_wait3A_262 = arith.constant 0 : i32
    %dma_wait3A_263 = tpu.memref_slice %arg6[%dma_wait3A, %dma_wait3A_262] : memref<2x128xi32, #tpu.memory_space<vmem>> -> memref<1x128xi32, #tpu.memory_space<vmem>>
    %dma_wait3A_264 = tpu.memref_squeeze %dma_wait3A_263 : memref<1x128xi32, #tpu.memory_space<vmem>> -> memref<128xi32, #tpu.memory_space<vmem>>
    %dma_wait3A_265 = arith.constant 0 : i32
    %dma_wait3A_266 = arith.constant 0 : i32
    %dma_wait3A_267 = tpu.memref_slice %arg2[%dma_wait3A_265, %dma_wait3A_266] : memref<32768x256xf32, #tpu.memory_space<hbm>> -> memref<32768x256xf32, #tpu.memory_space<hbm>>
    tpu.wait_indirect_dma semaphore(%arg8 : memref<!tpu.dma_semaphore, #tpu.memory_space<semaphore_mem>>) src(%dma_wait3A_267 : memref<32768x256xf32, #tpu.memory_space<hbm>>) dst(%dma_wait3A_261 : memref<128x256xf32, #tpu.memory_space<vmem>>)
    %dma_wait3A_268 = arith.constant 1 : i32
    %dma_wait3A_269 = arith.constant 1 : i32
    %dma_wait3A_270 = arith.constant 0 : i32
    %dma_wait3A_271 = arith.constant 0 : i32
    %dma_wait3A_272 = tpu.memref_slice %arg7[%dma_wait3A_269, %dma_wait3A_270, %dma_wait3A_271] : memref<2x128x256xf32, #tpu.memory_space<vmem>> -> memref<1x128x256xf32, #tpu.memory_space<vmem>>
    %dma_wait3A_273 = tpu.memref_squeeze %dma_wait3A_272 : memref<1x128x256xf32, #tpu.memory_space<vmem>> -> memref<128x256xf32, #tpu.memory_space<vmem>>
    %dma_wait3A_274 = arith.constant 0 : i32
    %dma_wait3A_275 = tpu.memref_slice %arg6[%dma_wait3A_268, %dma_wait3A_274] : memref<2x128xi32, #tpu.memory_space<vmem>> -> memref<1x128xi32, #tpu.memory_space<vmem>>
    %dma_wait3A_276 = tpu.memref_squeeze %dma_wait3A_275 : memref<1x128xi32, #tpu.memory_space<vmem>> -> memref<128xi32, #tpu.memory_space<vmem>>
    %dma_wait3A_277 = arith.constant 0 : i32
    %dma_wait3A_278 = arith.constant 0 : i32
    %dma_wait3A_279 = tpu.memref_slice %arg2[%dma_wait3A_277, %dma_wait3A_278] : memref<32768x256xf32, #tpu.memory_space<hbm>> -> memref<32768x256xf32, #tpu.memory_space<hbm>>
    tpu.wait_indirect_dma semaphore(%arg8 : memref<!tpu.dma_semaphore, #tpu.memory_space<semaphore_mem>>) src(%dma_wait3A_279 : memref<32768x256xf32, #tpu.memory_space<hbm>>) dst(%dma_wait3A_273 : memref<128x256xf32, #tpu.memory_space<vmem>>)
    %mul3A_280 = arith.constant 256 : i32
    %mul3A_281 = arith.muli %add3A, %mul3A_280 : i32
    %add3A_282 = arith.constant 0 : i32
    %add3A_283 = arith.addi %mul3A_281, %add3A_282 : i32
    %run_scoped3A = arith.constant 0 : i32
    "tpu.region"() ({
      %run_scoped3A_287 = tpu.sem_alloc : memref<!tpu.dma_semaphore, #tpu.memory_space<semaphore_mem>>
      %dma_start3A_288 = arith.constant 0 : i32
      %dma_start3A_289 = arith.constant 0 : i32
      %dma_start3A_290 = tpu.memref_slice %arg7[%run_scoped3A, %dma_start3A_288, %dma_start3A_289] : memref<2x128x256xf32, #tpu.memory_space<vmem>> -> memref<1x128x256xf32, #tpu.memory_space<vmem>>
      %dma_start3A_291 = tpu.memref_squeeze %dma_start3A_290 : memref<1x128x256xf32, #tpu.memory_space<vmem>> -> memref<128x256xf32, #tpu.memory_space<vmem>>
      %dma_start3A_292 = arith.constant 0 : i32
      %dma_start3A_293 = tpu.memref_slice %arg5[%add3A_283, %dma_start3A_292] : memref<8192x256xf32, #tpu.memory_space<hbm>> -> memref<128x256xf32, #tpu.memory_space<hbm>>
      %dma_start3A_294 = arith.constant 0 : i32
      %dma_start3A_295 = tpu.memref_slice %arg5[%add3A_283, %dma_start3A_294] : memref<8192x256xf32, #tpu.memory_space<hbm>> -> memref<128x256xf32, #tpu.memory_space<hbm>>
      %dma_start3A_296 = arith.constant 0 : i32
      %dma_start3A_297 = arith.constant 0 : i32
      %dma_start3A_298 = tpu.memref_slice %arg7[%run_scoped3A, %dma_start3A_296, %dma_start3A_297] : memref<2x128x256xf32, #tpu.memory_space<vmem>> -> memref<1x128x256xf32, #tpu.memory_space<vmem>>
      %dma_start3A_299 = tpu.memref_squeeze %dma_start3A_298 : memref<1x128x256xf32, #tpu.memory_space<vmem>> -> memref<128x256xf32, #tpu.memory_space<vmem>>
      tpu.enqueue_dma source(%dma_start3A_299 : memref<128x256xf32, #tpu.memory_space<vmem>>) target(%dma_start3A_295 : memref<128x256xf32, #tpu.memory_space<hbm>>) target_semaphore(%run_scoped3A_287 : memref<!tpu.dma_semaphore, #tpu.memory_space<semaphore_mem>>)
      %dma_wait3A_300 = arith.constant 0 : i32
      %dma_wait3A_301 = arith.constant 0 : i32
      %dma_wait3A_302 = tpu.memref_slice %arg7[%run_scoped3A, %dma_wait3A_300, %dma_wait3A_301] : memref<2x128x256xf32, #tpu.memory_space<vmem>> -> memref<1x128x256xf32, #tpu.memory_space<vmem>>
      %dma_wait3A_303 = tpu.memref_squeeze %dma_wait3A_302 : memref<1x128x256xf32, #tpu.memory_space<vmem>> -> memref<128x256xf32, #tpu.memory_space<vmem>>
      %dma_wait3A_304 = arith.constant 0 : i32
      %dma_wait3A_305 = tpu.memref_slice %arg5[%add3A_283, %dma_wait3A_304] : memref<8192x256xf32, #tpu.memory_space<hbm>> -> memref<128x256xf32, #tpu.memory_space<hbm>>
      %dma_wait3A_306 = arith.constant 0 : i32
      %dma_wait3A_307 = tpu.memref_slice %arg5[%add3A_283, %dma_wait3A_306] : memref<8192x256xf32, #tpu.memory_space<hbm>> -> memref<128x256xf32, #tpu.memory_space<hbm>>
      %dma_wait3A_308 = arith.constant 0 : i32
      %dma_wait3A_309 = arith.constant 0 : i32
      %dma_wait3A_310 = tpu.memref_slice %arg7[%run_scoped3A, %dma_wait3A_308, %dma_wait3A_309] : memref<2x128x256xf32, #tpu.memory_space<vmem>> -> memref<1x128x256xf32, #tpu.memory_space<vmem>>
      %dma_wait3A_311 = tpu.memref_squeeze %dma_wait3A_310 : memref<1x128x256xf32, #tpu.memory_space<vmem>> -> memref<128x256xf32, #tpu.memory_space<vmem>>
      tpu.wait_dma2 semaphore(%run_scoped3A_287 : memref<!tpu.dma_semaphore, #tpu.memory_space<semaphore_mem>>) src(%dma_wait3A_311 : memref<128x256xf32, #tpu.memory_space<vmem>>) dst(%dma_wait3A_307 : memref<128x256xf32, #tpu.memory_space<hbm>>)
      tpu.yield
    }) : () -> ()
    %add3A_284 = arith.constant 128 : i32
    %add3A_285 = arith.addi %mul3A_281, %add3A_284 : i32
    %run_scoped3A_286 = arith.constant 1 : i32
    "tpu.region"() ({
      %run_scoped3A_287 = tpu.sem_alloc : memref<!tpu.dma_semaphore, #tpu.memory_space<semaphore_mem>>
      %dma_start3A_288 = arith.constant 0 : i32
      %dma_start3A_289 = arith.constant 0 : i32
      %dma_start3A_290 = tpu.memref_slice %arg7[%run_scoped3A_286, %dma_start3A_288, %dma_start3A_289] : memref<2x128x256xf32, #tpu.memory_space<vmem>> -> memref<1x128x256xf32, #tpu.memory_space<vmem>>
      %dma_start3A_291 = tpu.memref_squeeze %dma_start3A_290 : memref<1x128x256xf32, #tpu.memory_space<vmem>> -> memref<128x256xf32, #tpu.memory_space<vmem>>
      %dma_start3A_292 = arith.constant 0 : i32
      %dma_start3A_293 = tpu.memref_slice %arg5[%add3A_285, %dma_start3A_292] : memref<8192x256xf32, #tpu.memory_space<hbm>> -> memref<128x256xf32, #tpu.memory_space<hbm>>
      %dma_start3A_294 = arith.constant 0 : i32
      %dma_start3A_295 = tpu.memref_slice %arg5[%add3A_285, %dma_start3A_294] : memref<8192x256xf32, #tpu.memory_space<hbm>> -> memref<128x256xf32, #tpu.memory_space<hbm>>
      %dma_start3A_296 = arith.constant 0 : i32
      %dma_start3A_297 = arith.constant 0 : i32
      %dma_start3A_298 = tpu.memref_slice %arg7[%run_scoped3A_286, %dma_start3A_296, %dma_start3A_297] : memref<2x128x256xf32, #tpu.memory_space<vmem>> -> memref<1x128x256xf32, #tpu.memory_space<vmem>>
      %dma_start3A_299 = tpu.memref_squeeze %dma_start3A_298 : memref<1x128x256xf32, #tpu.memory_space<vmem>> -> memref<128x256xf32, #tpu.memory_space<vmem>>
      tpu.enqueue_dma source(%dma_start3A_299 : memref<128x256xf32, #tpu.memory_space<vmem>>) target(%dma_start3A_295 : memref<128x256xf32, #tpu.memory_space<hbm>>) target_semaphore(%run_scoped3A_287 : memref<!tpu.dma_semaphore, #tpu.memory_space<semaphore_mem>>)
      %dma_wait3A_300 = arith.constant 0 : i32
      %dma_wait3A_301 = arith.constant 0 : i32
      %dma_wait3A_302 = tpu.memref_slice %arg7[%run_scoped3A_286, %dma_wait3A_300, %dma_wait3A_301] : memref<2x128x256xf32, #tpu.memory_space<vmem>> -> memref<1x128x256xf32, #tpu.memory_space<vmem>>
      %dma_wait3A_303 = tpu.memref_squeeze %dma_wait3A_302 : memref<1x128x256xf32, #tpu.memory_space<vmem>> -> memref<128x256xf32, #tpu.memory_space<vmem>>
      %dma_wait3A_304 = arith.constant 0 : i32
      %dma_wait3A_305 = tpu.memref_slice %arg5[%add3A_285, %dma_wait3A_304] : memref<8192x256xf32, #tpu.memory_space<hbm>> -> memref<128x256xf32, #tpu.memory_space<hbm>>
      %dma_wait3A_306 = arith.constant 0 : i32
      %dma_wait3A_307 = tpu.memref_slice %arg5[%add3A_285, %dma_wait3A_306] : memref<8192x256xf32, #tpu.memory_space<hbm>> -> memref<128x256xf32, #tpu.memory_space<hbm>>
      %dma_wait3A_308 = arith.constant 0 : i32
      %dma_wait3A_309 = arith.constant 0 : i32
      %dma_wait3A_310 = tpu.memref_slice %arg7[%run_scoped3A_286, %dma_wait3A_308, %dma_wait3A_309] : memref<2x128x256xf32, #tpu.memory_space<vmem>> -> memref<1x128x256xf32, #tpu.memory_space<vmem>>
      %dma_wait3A_311 = tpu.memref_squeeze %dma_wait3A_310 : memref<1x128x256xf32, #tpu.memory_space<vmem>> -> memref<128x256xf32, #tpu.memory_space<vmem>>
      tpu.wait_dma2 semaphore(%run_scoped3A_287 : memref<!tpu.dma_semaphore, #tpu.memory_space<semaphore_mem>>) src(%dma_wait3A_311 : memref<128x256xf32, #tpu.memory_space<vmem>>) dst(%dma_wait3A_307 : memref<128x256xf32, #tpu.memory_space<hbm>>)
      tpu.yield
    }) : () -> ()
    return
  }
}

module attributes {stable_mosaic.version = 14 : i64} {
  func.func @_mlp_body(%arg0: i32, %arg1: memref<1x512x256xf32, #tpu.memory_space<vmem>>, %arg2: memref<1x512x256xf32, #tpu.memory_space<vmem>>, %arg3: memref<1x1x512xi32, #tpu.memory_space<vmem>>, %arg4: memref<1x1x512xi32, #tpu.memory_space<vmem>>, %arg5: memref<1x256xf32, #tpu.memory_space<vmem>>, %arg6: memref<1x256xf32, #tpu.memory_space<vmem>>, %arg7: memref<256x256xf32, #tpu.memory_space<vmem>>, %arg8: memref<1x256xf32, #tpu.memory_space<vmem>>, %arg9: memref<256x1024xf32, #tpu.memory_space<vmem>>, %arg10: memref<1x1024xf32, #tpu.memory_space<vmem>>, %arg11: memref<1x512x1024xf32, #tpu.memory_space<vmem>>) attributes {dimension_semantics = [#tpu.dimension_semantics<arbitrary>], iteration_bounds = array<i64: 8>, scalar_prefetch = 0 : i64, scratch_operands = 0 : i64, tpu.core_type = #tpu.core_type<tc>, window_params = [{transform_indices = @transform_0, window_bounds = array<i64: 1, 512, 256>}, {transform_indices = @transform_1, window_bounds = array<i64: 1, 512, 256>}, {transform_indices = @transform_2, window_bounds = array<i64: 1, 1, 512>}, {transform_indices = @transform_3, window_bounds = array<i64: 1, 1, 512>}, {pipeline_mode = #tpu.pipeline_mode<synchronous>, transform_indices = @transform_4, window_bounds = array<i64: 1, 256>}, {pipeline_mode = #tpu.pipeline_mode<synchronous>, transform_indices = @transform_5, window_bounds = array<i64: 1, 256>}, {pipeline_mode = #tpu.pipeline_mode<synchronous>, transform_indices = @transform_6, window_bounds = array<i64: 256, 256>}, {pipeline_mode = #tpu.pipeline_mode<synchronous>, transform_indices = @transform_7, window_bounds = array<i64: 1, 256>}, {pipeline_mode = #tpu.pipeline_mode<synchronous>, transform_indices = @transform_8, window_bounds = array<i64: 256, 1024>}, {pipeline_mode = #tpu.pipeline_mode<synchronous>, transform_indices = @transform_9, window_bounds = array<i64: 1, 1024>}, {transform_indices = @transform_10, window_bounds = array<i64: 1, 512, 1024>}]} {
    %get3A = arith.constant 0 : index
    %get3A_0 = arith.constant 0 : index
    %get3A_1 = arith.constant 0 : index
    %get3A_2 = vector.load %arg1[%get3A, %get3A_0, %get3A_1] : memref<1x512x256xf32, #tpu.memory_space<vmem>>, vector<1x512x256xf32>
    %get3A_3 = vector.shape_cast %get3A_2 : vector<1x512x256xf32> to vector<512x256xf32>
    %get3A_4 = arith.constant 0 : index
    %get3A_5 = arith.constant 0 : index
    %get3A_6 = arith.constant 0 : index
    %get3A_7 = vector.load %arg2[%get3A_4, %get3A_5, %get3A_6] : memref<1x512x256xf32, #tpu.memory_space<vmem>>, vector<1x512x256xf32>
    %get3A_8 = vector.shape_cast %get3A_7 : vector<1x512x256xf32> to vector<512x256xf32>
    %get3A_9 = arith.constant 0 : index
    %get3A_10 = arith.constant 0 : index
    %get3A_11 = arith.constant 0 : index
    %get3A_12 = vector.load %arg3[%get3A_9, %get3A_10, %get3A_11] : memref<1x1x512xi32, #tpu.memory_space<vmem>>, vector<1x1x512xi32>
    %get3A_13 = vector.shape_cast %get3A_12 : vector<1x1x512xi32> to vector<1x512xi32>
    %get3A_14 = arith.constant 0 : index
    %get3A_15 = arith.constant 0 : index
    %get3A_16 = arith.constant 0 : index
    %get3A_17 = vector.load %arg4[%get3A_14, %get3A_15, %get3A_16] : memref<1x1x512xi32, #tpu.memory_space<vmem>>, vector<1x1x512xi32>
    %get3A_18 = vector.shape_cast %get3A_17 : vector<1x1x512xi32> to vector<1x512xi32>
    %sub3A = arith.subi %get3A_18, %get3A_13 : vector<1x512xi32>
    %max3A = arith.constant 1 : i32
    %max3A_19 = vector.broadcast %max3A : i32 to vector<1x512xi32>
    %max3A_20 = arith.maxsi %sub3A, %max3A_19 : vector<1x512xi32>
    %convert_element_type3A = arith.sitofp %max3A_20 : vector<1x512xi32> to vector<1x512xf32>
    %div3A = arith.constant 1.000000e+00 : f32
    %div3A_21 = vector.broadcast %div3A : f32 to vector<1x512xf32>
    %div3A_22 = arith.divf %div3A_21, %convert_element_type3A : vector<1x512xf32>
    %iota3A = tpu.iota {dimensions = array<i32: 0>} : vector<512x512xi32>
    %iota3A_23 = tpu.iota {dimensions = array<i32: 1>} : vector<512x512xi32>
    %eq3A = arith.cmpi eq, %iota3A, %iota3A_23 : vector<512x512xi32>
    %broadcast_in_dim3A = vector.shape_cast %div3A_22 : vector<1x512xf32> to vector<1x512xf32>
    %broadcast_in_dim3A_24 = vector.broadcast %broadcast_in_dim3A : vector<1x512xf32> to vector<512x512xf32>
    %jit3A = arith.constant 0.000000e+00 : f32
    %broadcast_in_dim3A_25 = vector.broadcast %jit3A : f32 to vector<512x512xf32>
    %select_n3A = arith.select %eq3A, %broadcast_in_dim3A_24, %broadcast_in_dim3A_25 : vector<512x512xi1>, vector<512x512xf32>
    %sub3A_26 = arith.subf %get3A_8, %get3A_3 : vector<512x256xf32>
    %dot_general3A = arith.constant dense<0.000000e+00> : vector<512x256xf32>
    %dot_general3A_27 = tpu.matmul %select_n3A, %sub3A_26, %dot_general3A {dimension_numbers = #tpu.dot_dimension_numbers<[1], [0], [0], [1], [0, 0, 1, 1], [], []>, transpose_lhs_hint = false} : vector<512x512xf32>, vector<512x256xf32>, vector<512x256xf32> -> vector<512x256xf32>
    %reduce_sum3A = arith.constant dense<0.000000e+00> : vector<512xf32>
    %reduce_sum3A_28 = vector.multi_reduction <add>, %dot_general3A_27, %reduce_sum3A [1] : vector<512x256xf32> to vector<512xf32>
    %broadcast_in_dim3A_29 = vector.shape_cast %reduce_sum3A_28 : vector<512xf32> to vector<512x1xf32>
    %div3A_30 = arith.constant 2.560000e+02 : f32
    %div3A_31 = vector.broadcast %div3A_30 : f32 to vector<512x1xf32>
    %div3A_32 = arith.divf %broadcast_in_dim3A_29, %div3A_31 : vector<512x1xf32>
    %sub3A_33 = vector.broadcast %div3A_32 : vector<512x1xf32> to vector<512x256xf32>
    %sub3A_34 = arith.subf %dot_general3A_27, %sub3A_33 : vector<512x256xf32>
    %integer_pow3A = arith.mulf %sub3A_34, %sub3A_34 : vector<512x256xf32>
    %reduce_sum3A_35 = arith.constant dense<0.000000e+00> : vector<512xf32>
    %reduce_sum3A_36 = vector.multi_reduction <add>, %integer_pow3A, %reduce_sum3A_35 [1] : vector<512x256xf32> to vector<512xf32>
    %broadcast_in_dim3A_37 = vector.shape_cast %reduce_sum3A_36 : vector<512xf32> to vector<512x1xf32>
    %div3A_38 = arith.constant 2.560000e+02 : f32
    %div3A_39 = vector.broadcast %div3A_38 : f32 to vector<512x1xf32>
    %div3A_40 = arith.divf %broadcast_in_dim3A_37, %div3A_39 : vector<512x1xf32>
    %sub3A_41 = vector.broadcast %div3A_32 : vector<512x1xf32> to vector<512x256xf32>
    %sub3A_42 = arith.subf %dot_general3A_27, %sub3A_41 : vector<512x256xf32>
    %add3A = arith.constant 9.99999974E-6 : f32
    %add3A_43 = vector.broadcast %add3A : f32 to vector<512x1xf32>
    %add3A_44 = arith.addf %div3A_40, %add3A_43 : vector<512x1xf32>
    %rsqrt3A = math.rsqrt %add3A_44 : vector<512x1xf32>
    %mul3A = vector.broadcast %rsqrt3A : vector<512x1xf32> to vector<512x256xf32>
    %mul3A_45 = arith.mulf %sub3A_42, %mul3A : vector<512x256xf32>
    %get3A_46 = arith.constant 0 : index
    %get3A_47 = arith.constant 0 : index
    %get3A_48 = vector.load %arg5[%get3A_46, %get3A_47] : memref<1x256xf32, #tpu.memory_space<vmem>>, vector<1x256xf32>
    %get3A_49 = vector.shape_cast %get3A_48 : vector<1x256xf32> to vector<256xf32>
    %broadcast_in_dim3A_50 = vector.shape_cast %get3A_49 : vector<256xf32> to vector<1x256xf32>
    %mul3A_51 = vector.broadcast %broadcast_in_dim3A_50 : vector<1x256xf32> to vector<512x256xf32>
    %mul3A_52 = arith.mulf %mul3A_45, %mul3A_51 : vector<512x256xf32>
    %get3A_53 = arith.constant 0 : index
    %get3A_54 = arith.constant 0 : index
    %get3A_55 = vector.load %arg6[%get3A_53, %get3A_54] : memref<1x256xf32, #tpu.memory_space<vmem>>, vector<1x256xf32>
    %get3A_56 = vector.shape_cast %get3A_55 : vector<1x256xf32> to vector<256xf32>
    %broadcast_in_dim3A_57 = vector.shape_cast %get3A_56 : vector<256xf32> to vector<1x256xf32>
    %add3A_58 = vector.broadcast %broadcast_in_dim3A_57 : vector<1x256xf32> to vector<512x256xf32>
    %add3A_59 = arith.addf %mul3A_52, %add3A_58 : vector<512x256xf32>
    %get3A_60 = arith.constant 0 : index
    %get3A_61 = arith.constant 0 : index
    %get3A_62 = vector.load %arg7[%get3A_60, %get3A_61] : memref<256x256xf32, #tpu.memory_space<vmem>>, vector<256x256xf32>
    %dot_general3A_63 = arith.constant dense<0.000000e+00> : vector<512x256xf32>
    %dot_general3A_64 = tpu.matmul %add3A_59, %get3A_62, %dot_general3A_63 {dimension_numbers = #tpu.dot_dimension_numbers<[1], [0], [0], [1], [0, 0, 1, 1], [], []>, transpose_lhs_hint = false} : vector<512x256xf32>, vector<256x256xf32>, vector<512x256xf32> -> vector<512x256xf32>
    %get3A_65 = arith.constant 0 : index
    %get3A_66 = arith.constant 0 : index
    %get3A_67 = vector.load %arg8[%get3A_65, %get3A_66] : memref<1x256xf32, #tpu.memory_space<vmem>>, vector<1x256xf32>
    %get3A_68 = vector.shape_cast %get3A_67 : vector<1x256xf32> to vector<256xf32>
    %broadcast_in_dim3A_69 = vector.shape_cast %get3A_68 : vector<256xf32> to vector<1x256xf32>
    %add3A_70 = vector.broadcast %broadcast_in_dim3A_69 : vector<1x256xf32> to vector<512x256xf32>
    %add3A_71 = arith.addf %dot_general3A_64, %add3A_70 : vector<512x256xf32>
    %mul3A_72 = arith.constant 5.000000e-01 : f32
    %mul3A_73 = vector.broadcast %mul3A_72 : f32 to vector<512x256xf32>
    %mul3A_74 = arith.mulf %mul3A_73, %add3A_71 : vector<512x256xf32>
    %mul3A_75 = arith.constant 0.707106769 : f32
    %mul3A_76 = vector.broadcast %mul3A_75 : f32 to vector<512x256xf32>
    %mul3A_77 = arith.mulf %add3A_71, %mul3A_76 : vector<512x256xf32>
    %erf3A = math.erf %mul3A_77 : vector<512x256xf32>
    %add3A_78 = arith.constant 1.000000e+00 : f32
    %add3A_79 = vector.broadcast %add3A_78 : f32 to vector<512x256xf32>
    %add3A_80 = arith.addf %add3A_79, %erf3A : vector<512x256xf32>
    %mul3A_81 = arith.mulf %mul3A_74, %add3A_80 : vector<512x256xf32>
    %get3A_82 = arith.constant 0 : index
    %get3A_83 = arith.constant 0 : index
    %get3A_84 = vector.load %arg9[%get3A_82, %get3A_83] : memref<256x1024xf32, #tpu.memory_space<vmem>>, vector<256x1024xf32>
    %dot_general3A_85 = arith.constant dense<0.000000e+00> : vector<512x1024xf32>
    %dot_general3A_86 = tpu.matmul %mul3A_81, %get3A_84, %dot_general3A_85 {dimension_numbers = #tpu.dot_dimension_numbers<[1], [0], [0], [1], [0, 0, 1, 1], [], []>, transpose_lhs_hint = false} : vector<512x256xf32>, vector<256x1024xf32>, vector<512x1024xf32> -> vector<512x1024xf32>
    %get3A_87 = arith.constant 0 : index
    %get3A_88 = arith.constant 0 : index
    %get3A_89 = vector.load %arg10[%get3A_87, %get3A_88] : memref<1x1024xf32, #tpu.memory_space<vmem>>, vector<1x1024xf32>
    %get3A_90 = vector.shape_cast %get3A_89 : vector<1x1024xf32> to vector<1024xf32>
    %broadcast_in_dim3A_91 = vector.shape_cast %get3A_90 : vector<1024xf32> to vector<1x1024xf32>
    %add3A_92 = vector.broadcast %broadcast_in_dim3A_91 : vector<1x1024xf32> to vector<512x1024xf32>
    %add3A_93 = arith.addf %dot_general3A_86, %add3A_92 : vector<512x1024xf32>
    %swap3A = arith.constant 0 : index
    %swap3A_94 = arith.constant 0 : index
    %swap3A_95 = arith.constant 0 : index
    %swap3A_96 = vector.load %arg11[%swap3A, %swap3A_94, %swap3A_95] : memref<1x512x1024xf32, #tpu.memory_space<vmem>>, vector<1x512x1024xf32>
    %swap3A_97 = vector.shape_cast %swap3A_96 : vector<1x512x1024xf32> to vector<512x1024xf32>
    %swap3A_98 = vector.shape_cast %add3A_93 : vector<512x1024xf32> to vector<1x512x1024xf32>
    tpu.vector_store %arg11[%swap3A, %swap3A_94, %swap3A_95], %swap3A_98 {strides = array<i32>} : memref<1x512x1024xf32, #tpu.memory_space<vmem>>, vector<1x512x1024xf32>,
    return
  }
  func.func @transform_0(%arg0: i32) -> (i32, i32, i32) {
    %c0_i32 = arith.constant 0 : i32
    %c0_i32_0 = arith.constant 0 : i32
    %c0_i32_1 = arith.constant 0 : i32
    return %arg0, %c0_i32, %c0_i32_0 : i32, i32, i32
  }
  func.func @transform_1(%arg0: i32) -> (i32, i32, i32) {
    %add3A = arith.constant 8 : i32
    %add3A_0 = arith.addi %add3A, %arg0 : i32
    %c0_i32 = arith.constant 0 : i32
    %c0_i32_1 = arith.constant 0 : i32
    %c0_i32_2 = arith.constant 0 : i32
    return %add3A_0, %c0_i32, %c0_i32_1 : i32, i32, i32
  }
  func.func @transform_2(%arg0: i32) -> (i32, i32, i32) {
    %c0_i32 = arith.constant 0 : i32
    %c0_i32_0 = arith.constant 0 : i32
    %c0_i32_1 = arith.constant 0 : i32
    return %arg0, %c0_i32, %c0_i32_0 : i32, i32, i32
  }
  func.func @transform_3(%arg0: i32) -> (i32, i32, i32) {
    %c0_i32 = arith.constant 0 : i32
    %c0_i32_0 = arith.constant 0 : i32
    %c0_i32_1 = arith.constant 0 : i32
    return %arg0, %c0_i32, %c0_i32_0 : i32, i32, i32
  }
  func.func @transform_4(%arg0: i32) -> (i32, i32) {
    %c0_i32 = arith.constant 0 : i32
    %c0_i32_0 = arith.constant 0 : i32
    %c0_i32_1 = arith.constant 0 : i32
    return %c0_i32, %c0_i32_0 : i32, i32
  }
  func.func @transform_5(%arg0: i32) -> (i32, i32) {
    %c0_i32 = arith.constant 0 : i32
    %c0_i32_0 = arith.constant 0 : i32
    %c0_i32_1 = arith.constant 0 : i32
    return %c0_i32, %c0_i32_0 : i32, i32
  }
  func.func @transform_6(%arg0: i32) -> (i32, i32) {
    %c0_i32 = arith.constant 0 : i32
    %c0_i32_0 = arith.constant 0 : i32
    %c0_i32_1 = arith.constant 0 : i32
    return %c0_i32, %c0_i32_0 : i32, i32
  }
  func.func @transform_7(%arg0: i32) -> (i32, i32) {
    %c0_i32 = arith.constant 0 : i32
    %c0_i32_0 = arith.constant 0 : i32
    %c0_i32_1 = arith.constant 0 : i32
    return %c0_i32, %c0_i32_0 : i32, i32
  }
  func.func @transform_8(%arg0: i32) -> (i32, i32) {
    %c0_i32 = arith.constant 0 : i32
    %c0_i32_0 = arith.constant 0 : i32
    %c0_i32_1 = arith.constant 0 : i32
    return %c0_i32, %c0_i32_0 : i32, i32
  }
  func.func @transform_9(%arg0: i32) -> (i32, i32) {
    %c0_i32 = arith.constant 0 : i32
    %c0_i32_0 = arith.constant 0 : i32
    %c0_i32_1 = arith.constant 0 : i32
    return %c0_i32, %c0_i32_0 : i32, i32
  }
  func.func @transform_10(%arg0: i32) -> (i32, i32, i32) {
    %c0_i32 = arith.constant 0 : i32
    %c0_i32_0 = arith.constant 0 : i32
    %c0_i32_1 = arith.constant 0 : i32
    return %arg0, %c0_i32, %c0_i32_0 : i32, i32, i32
  }
}

module attributes {stable_mosaic.version = 14 : i64} {
  func.func @_cumsum_body(%arg0: i32, %arg1: memref<1x4096x256xf32, #tpu.memory_space<vmem>>, %arg2: memref<1x4096x256xf32, #tpu.memory_space<vmem>>) attributes {dimension_semantics = [#tpu.dimension_semantics<arbitrary>], iteration_bounds = array<i64: 8>, scalar_prefetch = 0 : i64, scratch_operands = 0 : i64, tpu.core_type = #tpu.core_type<tc>, window_params = [{transform_indices = @transform_0, window_bounds = array<i64: 1, 4096, 256>}, {transform_indices = @transform_1, window_bounds = array<i64: 1, 4096, 256>}]} {
    %get3A = arith.constant 0 : index
    %get3A_0 = arith.constant 0 : index
    %get3A_1 = arith.constant 0 : index
    %get3A_2 = vector.load %arg1[%get3A, %get3A_0, %get3A_1] : memref<1x4096x256xf32, #tpu.memory_space<vmem>>, vector<1x4096x256xf32>
    %get3A_3 = vector.shape_cast %get3A_2 : vector<1x4096x256xf32> to vector<4096x256xf32>
    %iota3A = tpu.iota {dimensions = array<i32: 0>} : vector<16x4096xi32>
    %iota3A_4 = tpu.iota {dimensions = array<i32: 1>} : vector<16x4096xi32>
    %jit3A = arith.constant 256 : i32
    %div3A = vector.broadcast %jit3A : i32 to vector<16x4096xi32>
    %div3A_5 = arith.divsi %iota3A_4, %div3A : vector<16x4096xi32>
    %sign3A = arith.constant 0 : i32
    %sign3A_6 = vector.broadcast %sign3A : i32 to vector<16x4096xi32>
    %sign3A_7 = arith.cmpi sgt, %iota3A_4, %sign3A_6 : vector<16x4096xi32>
    %sign3A_8 = arith.extui %sign3A_7 : vector<16x4096xi1> to vector<16x4096xi32>
    %sign3A_9 = arith.constant 0 : i32
    %sign3A_10 = vector.broadcast %sign3A_9 : i32 to vector<16x4096xi32>
    %sign3A_11 = arith.cmpi slt, %iota3A_4, %sign3A_10 : vector<16x4096xi32>
    %sign3A_12 = arith.extui %sign3A_11 : vector<16x4096xi1> to vector<16x4096xi32>
    %sign3A_13 = arith.subi %sign3A_8, %sign3A_12 : vector<16x4096xi32>
    %sign3A_14 = arith.constant 0 : i32
    %sign3A_15 = arith.cmpi sgt, %jit3A, %sign3A_14 : i32
    %sign3A_16 = arith.extui %sign3A_15 : i1 to i32
    %sign3A_17 = arith.constant 0 : i32
    %sign3A_18 = arith.cmpi slt, %jit3A, %sign3A_17 : i32
    %sign3A_19 = arith.extui %sign3A_18 : i1 to i32
    %sign3A_20 = arith.subi %sign3A_16, %sign3A_19 : i32
    %ne3A = vector.broadcast %sign3A_20 : i32 to vector<16x4096xi32>
    %ne3A_21 = arith.cmpi ne, %sign3A_13, %ne3A : vector<16x4096xi32>
    %rem3A = vector.broadcast %jit3A : i32 to vector<16x4096xi32>
    %rem3A_22 = arith.remsi %iota3A_4, %rem3A : vector<16x4096xi32>
    %ne3A_23 = arith.constant 0 : i32
    %ne3A_24 = vector.broadcast %ne3A_23 : i32 to vector<16x4096xi32>
    %ne3A_25 = arith.cmpi ne, %rem3A_22, %ne3A_24 : vector<16x4096xi32>
    %and3A = arith.andi %ne3A_21, %ne3A_25 : vector<16x4096xi1>
    %sub3A = arith.constant 1 : i32
    %sub3A_26 = vector.broadcast %sub3A : i32 to vector<16x4096xi32>
    %sub3A_27 = arith.subi %div3A_5, %sub3A_26 : vector<16x4096xi32>
    %select_n3A = arith.select %and3A, %sub3A_27, %div3A_5 : vector<16x4096xi1>, vector<16x4096xi32>
    %eq3A = arith.cmpi eq, %select_n3A, %iota3A : vector<16x4096xi32>
    %convert_element_type3A = arith.extui %eq3A : vector<16x4096xi1> to vector<16x4096xi32>
    %convert_element_type3A_28 = arith.sitofp %convert_element_type3A : vector<16x4096xi32> to vector<16x4096xf32>
    %dot_general3A = arith.constant dense<0.000000e+00> : vector<16x256xf32>
    %dot_general3A_29 = tpu.matmul %convert_element_type3A_28, %get3A_3, %dot_general3A {dimension_numbers = #tpu.dot_dimension_numbers<[1], [0], [0], [1], [0, 0, 1, 1], [], []>, transpose_lhs_hint = false} : vector<16x4096xf32>, vector<4096x256xf32>, vector<16x256xf32> -> vector<16x256xf32>
    %iota3A_30 = tpu.iota {dimensions = array<i32: 0>} : vector<16x16xi32>
    %iota3A_31 = tpu.iota {dimensions = array<i32: 1>} : vector<16x16xi32>
    %gt3A = arith.cmpi sgt, %iota3A_30, %iota3A_31 : vector<16x16xi32>
    %convert_element_type3A_32 = arith.extui %gt3A : vector<16x16xi1> to vector<16x16xi32>
    %convert_element_type3A_33 = arith.sitofp %convert_element_type3A_32 : vector<16x16xi32> to vector<16x16xf32>
    %dot_general3A_34 = arith.constant dense<0.000000e+00> : vector<16x256xf32>
    %dot_general3A_35 = tpu.matmul %convert_element_type3A_33, %dot_general3A_29, %dot_general3A_34 {dimension_numbers = #tpu.dot_dimension_numbers<[1], [0], [0], [1], [0, 0, 1, 1], [], []>, transpose_lhs_hint = false} : vector<16x16xf32>, vector<16x256xf32>, vector<16x256xf32> -> vector<16x256xf32>
    %iota3A_36 = tpu.iota {dimensions = array<i32: 0>} : vector<256x256xi32>
    %iota3A_37 = tpu.iota {dimensions = array<i32: 1>} : vector<256x256xi32>
    %gt3A_38 = arith.cmpi sgt, %iota3A_36, %iota3A_37 : vector<256x256xi32>
    %convert_element_type3A_39 = arith.extui %gt3A_38 : vector<256x256xi1> to vector<256x256xi32>
    %convert_element_type3A_40 = arith.sitofp %convert_element_type3A_39 : vector<256x256xi32> to vector<256x256xf32>
    %slice3A = vector.extract_strided_slice %get3A_3 {offsets = [0, 0], sizes = [256, 256], strides = [1, 1]} : vector<4096x256xf32> to vector<256x256xf32>
    %dot_general3A_41 = arith.constant dense<0.000000e+00> : vector<256x256xf32>
    %dot_general3A_42 = tpu.matmul %convert_element_type3A_40, %slice3A, %dot_general3A_41 {dimension_numbers = #tpu.dot_dimension_numbers<[1], [0], [0], [1], [0, 0, 1, 1], [], []>, transpose_lhs_hint = false} : vector<256x256xf32>, vector<256x256xf32>, vector<256x256xf32> -> vector<256x256xf32>
    %slice3A_43 = vector.extract_strided_slice %dot_general3A_35 {offsets = [0, 0], sizes = [1, 256], strides = [1, 1]} : vector<16x256xf32> to vector<1x256xf32>
    %add3A = vector.broadcast %slice3A_43 : vector<1x256xf32> to vector<256x256xf32>
    %add3A_44 = arith.addf %dot_general3A_42, %add3A : vector<256x256xf32>
    %swap3A = arith.constant 0 : index
    %swap3A_45 = arith.constant 0 : index
    %swap3A_46 = arith.constant 0 : index
    %swap3A_47 = vector.load %arg2[%swap3A, %swap3A_45, %swap3A_46] : memref<1x4096x256xf32, #tpu.memory_space<vmem>>, vector<1x256x256xf32>
    %swap3A_48 = vector.shape_cast %swap3A_47 : vector<1x256x256xf32> to vector<256x256xf32>
    %swap3A_49 = vector.shape_cast %add3A_44 : vector<256x256xf32> to vector<1x256x256xf32>
    tpu.vector_store %arg2[%swap3A, %swap3A_45, %swap3A_46], %swap3A_49 {strides = array<i32>} : memref<1x4096x256xf32, #tpu.memory_space<vmem>>, vector<1x256x256xf32>,
    %slice3A_50 = vector.extract_strided_slice %get3A_3 {offsets = [256, 0], sizes = [256, 256], strides = [1, 1]} : vector<4096x256xf32> to vector<256x256xf32>
    %dot_general3A_51 = arith.constant dense<0.000000e+00> : vector<256x256xf32>
    %dot_general3A_52 = tpu.matmul %convert_element_type3A_40, %slice3A_50, %dot_general3A_51 {dimension_numbers = #tpu.dot_dimension_numbers<[1], [0], [0], [1], [0, 0, 1, 1], [], []>, transpose_lhs_hint = false} : vector<256x256xf32>, vector<256x256xf32>, vector<256x256xf32> -> vector<256x256xf32>
    %slice3A_53 = vector.extract_strided_slice %dot_general3A_35 {offsets = [1, 0], sizes = [1, 256], strides = [1, 1]} : vector<16x256xf32> to vector<1x256xf32>
    %add3A_54 = vector.broadcast %slice3A_53 : vector<1x256xf32> to vector<256x256xf32>
    %add3A_55 = arith.addf %dot_general3A_52, %add3A_54 : vector<256x256xf32>
    %swap3A_56 = arith.constant 0 : index
    %swap3A_57 = arith.constant 256 : index
    %swap3A_58 = arith.constant 0 : index
    %swap3A_59 = vector.load %arg2[%swap3A_56, %swap3A_57, %swap3A_58] : memref<1x4096x256xf32, #tpu.memory_space<vmem>>, vector<1x256x256xf32>
    %swap3A_60 = vector.shape_cast %swap3A_59 : vector<1x256x256xf32> to vector<256x256xf32>
    %swap3A_61 = vector.shape_cast %add3A_55 : vector<256x256xf32> to vector<1x256x256xf32>
    tpu.vector_store %arg2[%swap3A_56, %swap3A_57, %swap3A_58], %swap3A_61 {strides = array<i32>} : memref<1x4096x256xf32, #tpu.memory_space<vmem>>, vector<1x256x256xf32>,
    %slice3A_62 = vector.extract_strided_slice %get3A_3 {offsets = [512, 0], sizes = [256, 256], strides = [1, 1]} : vector<4096x256xf32> to vector<256x256xf32>
    %dot_general3A_63 = arith.constant dense<0.000000e+00> : vector<256x256xf32>
    %dot_general3A_64 = tpu.matmul %convert_element_type3A_40, %slice3A_62, %dot_general3A_63 {dimension_numbers = #tpu.dot_dimension_numbers<[1], [0], [0], [1], [0, 0, 1, 1], [], []>, transpose_lhs_hint = false} : vector<256x256xf32>, vector<256x256xf32>, vector<256x256xf32> -> vector<256x256xf32>
    %slice3A_65 = vector.extract_strided_slice %dot_general3A_35 {offsets = [2, 0], sizes = [1, 256], strides = [1, 1]} : vector<16x256xf32> to vector<1x256xf32>
    %add3A_66 = vector.broadcast %slice3A_65 : vector<1x256xf32> to vector<256x256xf32>
    %add3A_67 = arith.addf %dot_general3A_64, %add3A_66 : vector<256x256xf32>
    %swap3A_68 = arith.constant 0 : index
    %swap3A_69 = arith.constant 512 : index
    %swap3A_70 = arith.constant 0 : index
    %swap3A_71 = vector.load %arg2[%swap3A_68, %swap3A_69, %swap3A_70] : memref<1x4096x256xf32, #tpu.memory_space<vmem>>, vector<1x256x256xf32>
    %swap3A_72 = vector.shape_cast %swap3A_71 : vector<1x256x256xf32> to vector<256x256xf32>
    %swap3A_73 = vector.shape_cast %add3A_67 : vector<256x256xf32> to vector<1x256x256xf32>
    tpu.vector_store %arg2[%swap3A_68, %swap3A_69, %swap3A_70], %swap3A_73 {strides = array<i32>} : memref<1x4096x256xf32, #tpu.memory_space<vmem>>, vector<1x256x256xf32>,
    %slice3A_74 = vector.extract_strided_slice %get3A_3 {offsets = [768, 0], sizes = [256, 256], strides = [1, 1]} : vector<4096x256xf32> to vector<256x256xf32>
    %dot_general3A_75 = arith.constant dense<0.000000e+00> : vector<256x256xf32>
    %dot_general3A_76 = tpu.matmul %convert_element_type3A_40, %slice3A_74, %dot_general3A_75 {dimension_numbers = #tpu.dot_dimension_numbers<[1], [0], [0], [1], [0, 0, 1, 1], [], []>, transpose_lhs_hint = false} : vector<256x256xf32>, vector<256x256xf32>, vector<256x256xf32> -> vector<256x256xf32>
    %slice3A_77 = vector.extract_strided_slice %dot_general3A_35 {offsets = [3, 0], sizes = [1, 256], strides = [1, 1]} : vector<16x256xf32> to vector<1x256xf32>
    %add3A_78 = vector.broadcast %slice3A_77 : vector<1x256xf32> to vector<256x256xf32>
    %add3A_79 = arith.addf %dot_general3A_76, %add3A_78 : vector<256x256xf32>
    %swap3A_80 = arith.constant 0 : index
    %swap3A_81 = arith.constant 768 : index
    %swap3A_82 = arith.constant 0 : index
    %swap3A_83 = vector.load %arg2[%swap3A_80, %swap3A_81, %swap3A_82] : memref<1x4096x256xf32, #tpu.memory_space<vmem>>, vector<1x256x256xf32>
    %swap3A_84 = vector.shape_cast %swap3A_83 : vector<1x256x256xf32> to vector<256x256xf32>
    %swap3A_85 = vector.shape_cast %add3A_79 : vector<256x256xf32> to vector<1x256x256xf32>
    tpu.vector_store %arg2[%swap3A_80, %swap3A_81, %swap3A_82], %swap3A_85 {strides = array<i32>} : memref<1x4096x256xf32, #tpu.memory_space<vmem>>, vector<1x256x256xf32>,
    %slice3A_86 = vector.extract_strided_slice %get3A_3 {offsets = [1024, 0], sizes = [256, 256], strides = [1, 1]} : vector<4096x256xf32> to vector<256x256xf32>
    %dot_general3A_87 = arith.constant dense<0.000000e+00> : vector<256x256xf32>
    %dot_general3A_88 = tpu.matmul %convert_element_type3A_40, %slice3A_86, %dot_general3A_87 {dimension_numbers = #tpu.dot_dimension_numbers<[1], [0], [0], [1], [0, 0, 1, 1], [], []>, transpose_lhs_hint = false} : vector<256x256xf32>, vector<256x256xf32>, vector<256x256xf32> -> vector<256x256xf32>
    %slice3A_89 = vector.extract_strided_slice %dot_general3A_35 {offsets = [4, 0], sizes = [1, 256], strides = [1, 1]} : vector<16x256xf32> to vector<1x256xf32>
    %add3A_90 = vector.broadcast %slice3A_89 : vector<1x256xf32> to vector<256x256xf32>
    %add3A_91 = arith.addf %dot_general3A_88, %add3A_90 : vector<256x256xf32>
    %swap3A_92 = arith.constant 0 : index
    %swap3A_93 = arith.constant 1024 : index
    %swap3A_94 = arith.constant 0 : index
    %swap3A_95 = vector.load %arg2[%swap3A_92, %swap3A_93, %swap3A_94] : memref<1x4096x256xf32, #tpu.memory_space<vmem>>, vector<1x256x256xf32>
    %swap3A_96 = vector.shape_cast %swap3A_95 : vector<1x256x256xf32> to vector<256x256xf32>
    %swap3A_97 = vector.shape_cast %add3A_91 : vector<256x256xf32> to vector<1x256x256xf32>
    tpu.vector_store %arg2[%swap3A_92, %swap3A_93, %swap3A_94], %swap3A_97 {strides = array<i32>} : memref<1x4096x256xf32, #tpu.memory_space<vmem>>, vector<1x256x256xf32>,
    %slice3A_98 = vector.extract_strided_slice %get3A_3 {offsets = [1280, 0], sizes = [256, 256], strides = [1, 1]} : vector<4096x256xf32> to vector<256x256xf32>
    %dot_general3A_99 = arith.constant dense<0.000000e+00> : vector<256x256xf32>
    %dot_general3A_100 = tpu.matmul %convert_element_type3A_40, %slice3A_98, %dot_general3A_99 {dimension_numbers = #tpu.dot_dimension_numbers<[1], [0], [0], [1], [0, 0, 1, 1], [], []>, transpose_lhs_hint = false} : vector<256x256xf32>, vector<256x256xf32>, vector<256x256xf32> -> vector<256x256xf32>
    %slice3A_101 = vector.extract_strided_slice %dot_general3A_35 {offsets = [5, 0], sizes = [1, 256], strides = [1, 1]} : vector<16x256xf32> to vector<1x256xf32>
    %add3A_102 = vector.broadcast %slice3A_101 : vector<1x256xf32> to vector<256x256xf32>
    %add3A_103 = arith.addf %dot_general3A_100, %add3A_102 : vector<256x256xf32>
    %swap3A_104 = arith.constant 0 : index
    %swap3A_105 = arith.constant 1280 : index
    %swap3A_106 = arith.constant 0 : index
    %swap3A_107 = vector.load %arg2[%swap3A_104, %swap3A_105, %swap3A_106] : memref<1x4096x256xf32, #tpu.memory_space<vmem>>, vector<1x256x256xf32>
    %swap3A_108 = vector.shape_cast %swap3A_107 : vector<1x256x256xf32> to vector<256x256xf32>
    %swap3A_109 = vector.shape_cast %add3A_103 : vector<256x256xf32> to vector<1x256x256xf32>
    tpu.vector_store %arg2[%swap3A_104, %swap3A_105, %swap3A_106], %swap3A_109 {strides = array<i32>} : memref<1x4096x256xf32, #tpu.memory_space<vmem>>, vector<1x256x256xf32>,
    %slice3A_110 = vector.extract_strided_slice %get3A_3 {offsets = [1536, 0], sizes = [256, 256], strides = [1, 1]} : vector<4096x256xf32> to vector<256x256xf32>
    %dot_general3A_111 = arith.constant dense<0.000000e+00> : vector<256x256xf32>
    %dot_general3A_112 = tpu.matmul %convert_element_type3A_40, %slice3A_110, %dot_general3A_111 {dimension_numbers = #tpu.dot_dimension_numbers<[1], [0], [0], [1], [0, 0, 1, 1], [], []>, transpose_lhs_hint = false} : vector<256x256xf32>, vector<256x256xf32>, vector<256x256xf32> -> vector<256x256xf32>
    %slice3A_113 = vector.extract_strided_slice %dot_general3A_35 {offsets = [6, 0], sizes = [1, 256], strides = [1, 1]} : vector<16x256xf32> to vector<1x256xf32>
    %add3A_114 = vector.broadcast %slice3A_113 : vector<1x256xf32> to vector<256x256xf32>
    %add3A_115 = arith.addf %dot_general3A_112, %add3A_114 : vector<256x256xf32>
    %swap3A_116 = arith.constant 0 : index
    %swap3A_117 = arith.constant 1536 : index
    %swap3A_118 = arith.constant 0 : index
    %swap3A_119 = vector.load %arg2[%swap3A_116, %swap3A_117, %swap3A_118] : memref<1x4096x256xf32, #tpu.memory_space<vmem>>, vector<1x256x256xf32>
    %swap3A_120 = vector.shape_cast %swap3A_119 : vector<1x256x256xf32> to vector<256x256xf32>
    %swap3A_121 = vector.shape_cast %add3A_115 : vector<256x256xf32> to vector<1x256x256xf32>
    tpu.vector_store %arg2[%swap3A_116, %swap3A_117, %swap3A_118], %swap3A_121 {strides = array<i32>} : memref<1x4096x256xf32, #tpu.memory_space<vmem>>, vector<1x256x256xf32>,
    %slice3A_122 = vector.extract_strided_slice %get3A_3 {offsets = [1792, 0], sizes = [256, 256], strides = [1, 1]} : vector<4096x256xf32> to vector<256x256xf32>
    %dot_general3A_123 = arith.constant dense<0.000000e+00> : vector<256x256xf32>
    %dot_general3A_124 = tpu.matmul %convert_element_type3A_40, %slice3A_122, %dot_general3A_123 {dimension_numbers = #tpu.dot_dimension_numbers<[1], [0], [0], [1], [0, 0, 1, 1], [], []>, transpose_lhs_hint = false} : vector<256x256xf32>, vector<256x256xf32>, vector<256x256xf32> -> vector<256x256xf32>
    %slice3A_125 = vector.extract_strided_slice %dot_general3A_35 {offsets = [7, 0], sizes = [1, 256], strides = [1, 1]} : vector<16x256xf32> to vector<1x256xf32>
    %add3A_126 = vector.broadcast %slice3A_125 : vector<1x256xf32> to vector<256x256xf32>
    %add3A_127 = arith.addf %dot_general3A_124, %add3A_126 : vector<256x256xf32>
    %swap3A_128 = arith.constant 0 : index
    %swap3A_129 = arith.constant 1792 : index
    %swap3A_130 = arith.constant 0 : index
    %swap3A_131 = vector.load %arg2[%swap3A_128, %swap3A_129, %swap3A_130] : memref<1x4096x256xf32, #tpu.memory_space<vmem>>, vector<1x256x256xf32>
    %swap3A_132 = vector.shape_cast %swap3A_131 : vector<1x256x256xf32> to vector<256x256xf32>
    %swap3A_133 = vector.shape_cast %add3A_127 : vector<256x256xf32> to vector<1x256x256xf32>
    tpu.vector_store %arg2[%swap3A_128, %swap3A_129, %swap3A_130], %swap3A_133 {strides = array<i32>} : memref<1x4096x256xf32, #tpu.memory_space<vmem>>, vector<1x256x256xf32>,
    %slice3A_134 = vector.extract_strided_slice %get3A_3 {offsets = [2048, 0], sizes = [256, 256], strides = [1, 1]} : vector<4096x256xf32> to vector<256x256xf32>
    %dot_general3A_135 = arith.constant dense<0.000000e+00> : vector<256x256xf32>
    %dot_general3A_136 = tpu.matmul %convert_element_type3A_40, %slice3A_134, %dot_general3A_135 {dimension_numbers = #tpu.dot_dimension_numbers<[1], [0], [0], [1], [0, 0, 1, 1], [], []>, transpose_lhs_hint = false} : vector<256x256xf32>, vector<256x256xf32>, vector<256x256xf32> -> vector<256x256xf32>
    %slice3A_137 = vector.extract_strided_slice %dot_general3A_35 {offsets = [8, 0], sizes = [1, 256], strides = [1, 1]} : vector<16x256xf32> to vector<1x256xf32>
    %add3A_138 = vector.broadcast %slice3A_137 : vector<1x256xf32> to vector<256x256xf32>
    %add3A_139 = arith.addf %dot_general3A_136, %add3A_138 : vector<256x256xf32>
    %swap3A_140 = arith.constant 0 : index
    %swap3A_141 = arith.constant 2048 : index
    %swap3A_142 = arith.constant 0 : index
    %swap3A_143 = vector.load %arg2[%swap3A_140, %swap3A_141, %swap3A_142] : memref<1x4096x256xf32, #tpu.memory_space<vmem>>, vector<1x256x256xf32>
    %swap3A_144 = vector.shape_cast %swap3A_143 : vector<1x256x256xf32> to vector<256x256xf32>
    %swap3A_145 = vector.shape_cast %add3A_139 : vector<256x256xf32> to vector<1x256x256xf32>
    tpu.vector_store %arg2[%swap3A_140, %swap3A_141, %swap3A_142], %swap3A_145 {strides = array<i32>} : memref<1x4096x256xf32, #tpu.memory_space<vmem>>, vector<1x256x256xf32>,
    %slice3A_146 = vector.extract_strided_slice %get3A_3 {offsets = [2304, 0], sizes = [256, 256], strides = [1, 1]} : vector<4096x256xf32> to vector<256x256xf32>
    %dot_general3A_147 = arith.constant dense<0.000000e+00> : vector<256x256xf32>
    %dot_general3A_148 = tpu.matmul %convert_element_type3A_40, %slice3A_146, %dot_general3A_147 {dimension_numbers = #tpu.dot_dimension_numbers<[1], [0], [0], [1], [0, 0, 1, 1], [], []>, transpose_lhs_hint = false} : vector<256x256xf32>, vector<256x256xf32>, vector<256x256xf32> -> vector<256x256xf32>
    %slice3A_149 = vector.extract_strided_slice %dot_general3A_35 {offsets = [9, 0], sizes = [1, 256], strides = [1, 1]} : vector<16x256xf32> to vector<1x256xf32>
    %add3A_150 = vector.broadcast %slice3A_149 : vector<1x256xf32> to vector<256x256xf32>
    %add3A_151 = arith.addf %dot_general3A_148, %add3A_150 : vector<256x256xf32>
    %swap3A_152 = arith.constant 0 : index
    %swap3A_153 = arith.constant 2304 : index
    %swap3A_154 = arith.constant 0 : index
    %swap3A_155 = vector.load %arg2[%swap3A_152, %swap3A_153, %swap3A_154] : memref<1x4096x256xf32, #tpu.memory_space<vmem>>, vector<1x256x256xf32>
    %swap3A_156 = vector.shape_cast %swap3A_155 : vector<1x256x256xf32> to vector<256x256xf32>
    %swap3A_157 = vector.shape_cast %add3A_151 : vector<256x256xf32> to vector<1x256x256xf32>
    tpu.vector_store %arg2[%swap3A_152, %swap3A_153, %swap3A_154], %swap3A_157 {strides = array<i32>} : memref<1x4096x256xf32, #tpu.memory_space<vmem>>, vector<1x256x256xf32>,
    %slice3A_158 = vector.extract_strided_slice %get3A_3 {offsets = [2560, 0], sizes = [256, 256], strides = [1, 1]} : vector<4096x256xf32> to vector<256x256xf32>
    %dot_general3A_159 = arith.constant dense<0.000000e+00> : vector<256x256xf32>
    %dot_general3A_160 = tpu.matmul %convert_element_type3A_40, %slice3A_158, %dot_general3A_159 {dimension_numbers = #tpu.dot_dimension_numbers<[1], [0], [0], [1], [0, 0, 1, 1], [], []>, transpose_lhs_hint = false} : vector<256x256xf32>, vector<256x256xf32>, vector<256x256xf32> -> vector<256x256xf32>
    %slice3A_161 = vector.extract_strided_slice %dot_general3A_35 {offsets = [10, 0], sizes = [1, 256], strides = [1, 1]} : vector<16x256xf32> to vector<1x256xf32>
    %add3A_162 = vector.broadcast %slice3A_161 : vector<1x256xf32> to vector<256x256xf32>
    %add3A_163 = arith.addf %dot_general3A_160, %add3A_162 : vector<256x256xf32>
    %swap3A_164 = arith.constant 0 : index
    %swap3A_165 = arith.constant 2560 : index
    %swap3A_166 = arith.constant 0 : index
    %swap3A_167 = vector.load %arg2[%swap3A_164, %swap3A_165, %swap3A_166] : memref<1x4096x256xf32, #tpu.memory_space<vmem>>, vector<1x256x256xf32>
    %swap3A_168 = vector.shape_cast %swap3A_167 : vector<1x256x256xf32> to vector<256x256xf32>
    %swap3A_169 = vector.shape_cast %add3A_163 : vector<256x256xf32> to vector<1x256x256xf32>
    tpu.vector_store %arg2[%swap3A_164, %swap3A_165, %swap3A_166], %swap3A_169 {strides = array<i32>} : memref<1x4096x256xf32, #tpu.memory_space<vmem>>, vector<1x256x256xf32>,
    %slice3A_170 = vector.extract_strided_slice %get3A_3 {offsets = [2816, 0], sizes = [256, 256], strides = [1, 1]} : vector<4096x256xf32> to vector<256x256xf32>
    %dot_general3A_171 = arith.constant dense<0.000000e+00> : vector<256x256xf32>
    %dot_general3A_172 = tpu.matmul %convert_element_type3A_40, %slice3A_170, %dot_general3A_171 {dimension_numbers = #tpu.dot_dimension_numbers<[1], [0], [0], [1], [0, 0, 1, 1], [], []>, transpose_lhs_hint = false} : vector<256x256xf32>, vector<256x256xf32>, vector<256x256xf32> -> vector<256x256xf32>
    %slice3A_173 = vector.extract_strided_slice %dot_general3A_35 {offsets = [11, 0], sizes = [1, 256], strides = [1, 1]} : vector<16x256xf32> to vector<1x256xf32>
    %add3A_174 = vector.broadcast %slice3A_173 : vector<1x256xf32> to vector<256x256xf32>
    %add3A_175 = arith.addf %dot_general3A_172, %add3A_174 : vector<256x256xf32>
    %swap3A_176 = arith.constant 0 : index
    %swap3A_177 = arith.constant 2816 : index
    %swap3A_178 = arith.constant 0 : index
    %swap3A_179 = vector.load %arg2[%swap3A_176, %swap3A_177, %swap3A_178] : memref<1x4096x256xf32, #tpu.memory_space<vmem>>, vector<1x256x256xf32>
    %swap3A_180 = vector.shape_cast %swap3A_179 : vector<1x256x256xf32> to vector<256x256xf32>
    %swap3A_181 = vector.shape_cast %add3A_175 : vector<256x256xf32> to vector<1x256x256xf32>
    tpu.vector_store %arg2[%swap3A_176, %swap3A_177, %swap3A_178], %swap3A_181 {strides = array<i32>} : memref<1x4096x256xf32, #tpu.memory_space<vmem>>, vector<1x256x256xf32>,
    %slice3A_182 = vector.extract_strided_slice %get3A_3 {offsets = [3072, 0], sizes = [256, 256], strides = [1, 1]} : vector<4096x256xf32> to vector<256x256xf32>
    %dot_general3A_183 = arith.constant dense<0.000000e+00> : vector<256x256xf32>
    %dot_general3A_184 = tpu.matmul %convert_element_type3A_40, %slice3A_182, %dot_general3A_183 {dimension_numbers = #tpu.dot_dimension_numbers<[1], [0], [0], [1], [0, 0, 1, 1], [], []>, transpose_lhs_hint = false} : vector<256x256xf32>, vector<256x256xf32>, vector<256x256xf32> -> vector<256x256xf32>
    %slice3A_185 = vector.extract_strided_slice %dot_general3A_35 {offsets = [12, 0], sizes = [1, 256], strides = [1, 1]} : vector<16x256xf32> to vector<1x256xf32>
    %add3A_186 = vector.broadcast %slice3A_185 : vector<1x256xf32> to vector<256x256xf32>
    %add3A_187 = arith.addf %dot_general3A_184, %add3A_186 : vector<256x256xf32>
    %swap3A_188 = arith.constant 0 : index
    %swap3A_189 = arith.constant 3072 : index
    %swap3A_190 = arith.constant 0 : index
    %swap3A_191 = vector.load %arg2[%swap3A_188, %swap3A_189, %swap3A_190] : memref<1x4096x256xf32, #tpu.memory_space<vmem>>, vector<1x256x256xf32>
    %swap3A_192 = vector.shape_cast %swap3A_191 : vector<1x256x256xf32> to vector<256x256xf32>
    %swap3A_193 = vector.shape_cast %add3A_187 : vector<256x256xf32> to vector<1x256x256xf32>
    tpu.vector_store %arg2[%swap3A_188, %swap3A_189, %swap3A_190], %swap3A_193 {strides = array<i32>} : memref<1x4096x256xf32, #tpu.memory_space<vmem>>, vector<1x256x256xf32>,
    %slice3A_194 = vector.extract_strided_slice %get3A_3 {offsets = [3328, 0], sizes = [256, 256], strides = [1, 1]} : vector<4096x256xf32> to vector<256x256xf32>
    %dot_general3A_195 = arith.constant dense<0.000000e+00> : vector<256x256xf32>
    %dot_general3A_196 = tpu.matmul %convert_element_type3A_40, %slice3A_194, %dot_general3A_195 {dimension_numbers = #tpu.dot_dimension_numbers<[1], [0], [0], [1], [0, 0, 1, 1], [], []>, transpose_lhs_hint = false} : vector<256x256xf32>, vector<256x256xf32>, vector<256x256xf32> -> vector<256x256xf32>
    %slice3A_197 = vector.extract_strided_slice %dot_general3A_35 {offsets = [13, 0], sizes = [1, 256], strides = [1, 1]} : vector<16x256xf32> to vector<1x256xf32>
    %add3A_198 = vector.broadcast %slice3A_197 : vector<1x256xf32> to vector<256x256xf32>
    %add3A_199 = arith.addf %dot_general3A_196, %add3A_198 : vector<256x256xf32>
    %swap3A_200 = arith.constant 0 : index
    %swap3A_201 = arith.constant 3328 : index
    %swap3A_202 = arith.constant 0 : index
    %swap3A_203 = vector.load %arg2[%swap3A_200, %swap3A_201, %swap3A_202] : memref<1x4096x256xf32, #tpu.memory_space<vmem>>, vector<1x256x256xf32>
    %swap3A_204 = vector.shape_cast %swap3A_203 : vector<1x256x256xf32> to vector<256x256xf32>
    %swap3A_205 = vector.shape_cast %add3A_199 : vector<256x256xf32> to vector<1x256x256xf32>
    tpu.vector_store %arg2[%swap3A_200, %swap3A_201, %swap3A_202], %swap3A_205 {strides = array<i32>} : memref<1x4096x256xf32, #tpu.memory_space<vmem>>, vector<1x256x256xf32>,
    %slice3A_206 = vector.extract_strided_slice %get3A_3 {offsets = [3584, 0], sizes = [256, 256], strides = [1, 1]} : vector<4096x256xf32> to vector<256x256xf32>
    %dot_general3A_207 = arith.constant dense<0.000000e+00> : vector<256x256xf32>
    %dot_general3A_208 = tpu.matmul %convert_element_type3A_40, %slice3A_206, %dot_general3A_207 {dimension_numbers = #tpu.dot_dimension_numbers<[1], [0], [0], [1], [0, 0, 1, 1], [], []>, transpose_lhs_hint = false} : vector<256x256xf32>, vector<256x256xf32>, vector<256x256xf32> -> vector<256x256xf32>
    %slice3A_209 = vector.extract_strided_slice %dot_general3A_35 {offsets = [14, 0], sizes = [1, 256], strides = [1, 1]} : vector<16x256xf32> to vector<1x256xf32>
    %add3A_210 = vector.broadcast %slice3A_209 : vector<1x256xf32> to vector<256x256xf32>
    %add3A_211 = arith.addf %dot_general3A_208, %add3A_210 : vector<256x256xf32>
    %swap3A_212 = arith.constant 0 : index
    %swap3A_213 = arith.constant 3584 : index
    %swap3A_214 = arith.constant 0 : index
    %swap3A_215 = vector.load %arg2[%swap3A_212, %swap3A_213, %swap3A_214] : memref<1x4096x256xf32, #tpu.memory_space<vmem>>, vector<1x256x256xf32>
    %swap3A_216 = vector.shape_cast %swap3A_215 : vector<1x256x256xf32> to vector<256x256xf32>
    %swap3A_217 = vector.shape_cast %add3A_211 : vector<256x256xf32> to vector<1x256x256xf32>
    tpu.vector_store %arg2[%swap3A_212, %swap3A_213, %swap3A_214], %swap3A_217 {strides = array<i32>} : memref<1x4096x256xf32, #tpu.memory_space<vmem>>, vector<1x256x256xf32>,
    %slice3A_218 = vector.extract_strided_slice %get3A_3 {offsets = [3840, 0], sizes = [256, 256], strides = [1, 1]} : vector<4096x256xf32> to vector<256x256xf32>
    %dot_general3A_219 = arith.constant dense<0.000000e+00> : vector<256x256xf32>
    %dot_general3A_220 = tpu.matmul %convert_element_type3A_40, %slice3A_218, %dot_general3A_219 {dimension_numbers = #tpu.dot_dimension_numbers<[1], [0], [0], [1], [0, 0, 1, 1], [], []>, transpose_lhs_hint = false} : vector<256x256xf32>, vector<256x256xf32>, vector<256x256xf32> -> vector<256x256xf32>
    %slice3A_221 = vector.extract_strided_slice %dot_general3A_35 {offsets = [15, 0], sizes = [1, 256], strides = [1, 1]} : vector<16x256xf32> to vector<1x256xf32>
    %add3A_222 = vector.broadcast %slice3A_221 : vector<1x256xf32> to vector<256x256xf32>
    %add3A_223 = arith.addf %dot_general3A_220, %add3A_222 : vector<256x256xf32>
    %swap3A_224 = arith.constant 0 : index
    %swap3A_225 = arith.constant 3840 : index
    %swap3A_226 = arith.constant 0 : index
    %swap3A_227 = vector.load %arg2[%swap3A_224, %swap3A_225, %swap3A_226] : memref<1x4096x256xf32, #tpu.memory_space<vmem>>, vector<1x256x256xf32>
    %swap3A_228 = vector.shape_cast %swap3A_227 : vector<1x256x256xf32> to vector<256x256xf32>
    %swap3A_229 = vector.shape_cast %add3A_223 : vector<256x256xf32> to vector<1x256x256xf32>
    tpu.vector_store %arg2[%swap3A_224, %swap3A_225, %swap3A_226], %swap3A_229 {strides = array<i32>} : memref<1x4096x256xf32, #tpu.memory_space<vmem>>, vector<1x256x256xf32>,
    return
  }
  func.func @transform_0(%arg0: i32) -> (i32, i32, i32) {
    %c0_i32 = arith.constant 0 : i32
    %c0_i32_0 = arith.constant 0 : i32
    %c0_i32_1 = arith.constant 0 : i32
    return %arg0, %c0_i32, %c0_i32_0 : i32, i32, i32
  }
  func.func @transform_1(%arg0: i32) -> (i32, i32, i32) {
    %c0_i32 = arith.constant 0 : i32
    %c0_i32_0 = arith.constant 0 : i32
    %c0_i32_1 = arith.constant 0 : i32
    return %arg0, %c0_i32, %c0_i32_0 : i32, i32, i32
  }
}

</mosaic_0001>

<sc_bundles>
// kernel: _run.5.cloned.1.call-start
scs
__scs_entry_jumppad:
0x0: {  	(pc) =	sbr.rel $0x88, $3  }
0x1: {  	(tag) =	ssettag $0x0;
	lr =	simm.s32 $0x1  }
0x2: {  	[smem:$0x3F98] =	sst lr;
	_ =	strace $0xD0000000  }
0x3: {  	_ = 	snop  }
0x4: {  	_ = 	snop  }
0x5: {  	_ = 	snop  }
0x6: {  	_ = 	snop  }
0x7: {  	_ = 	snop  }
__scs_overlays_trampoline_lowered:
0x8: {  	[smem:$0x3FA7] =	sst s0  }
0x9: {  	[smem:$0x3FA8] =	sst s1  }
0xa: {  	[smem:$0x3FA9] =	sst s2  }
0xb: {  	[smem:$0x3FAA] =	sst s3  }
0xc: {  	[smem:$0x3FAB] =	sst s4  }
0xd: {  	[smem:$0x3FAC] =	sst s5  }
0xe: {  	[smem:$0x3FAD] =	sst s6  }
0xf: {  	[smem:$0x3FAE] =	sst s7  }
0x10: {  	[smem:$0x3FAF] =	sst s8  }
0x11: {  	[smem:$0x3FB0] =	sst s9;
	s0 =	simm.s32 @!p0 $0x0  }
0x12: {  	s1 =	sld [smem:$0x3F96];
	s0 =	simm.s32 @p0 $0x1  }
0x13: {  	[smem:$0x3FB1] =	sst s0;
	s0 =	simm.s32 @!p1 $0x0  }
0x14: {  	s2 =	sld [smem:$0x3F95];
	s0 =	simm.s32 @p1 $0x1  }
0x15: {  	[smem:$0x3FB2] =	sst s0;
	s0 =	simm.s32 @!p2 $0x0  }
0x16: {  	s3 =	sld [smem:$0x3FDB];
	s0 =	simm.s32 @p2 $0x1  }
0x17: {  	s4 =	simm.s32 $0x1BF5;
	[smem:$0x3FB4] =	sst s0  }
0x18: {  	s0 =	sld [smem:$0x3F97];
	_ =	swait.ge [sflag:s4], $0x0  }
0x19: {  	s7 =	sld [smem:$0x3F98]  }
0x1a: {  	s8 =	sadd.s32 $0xFFFFE003, lr  }
0x1b: {  	s9 =	sadd.s32 $0xFFFFFEF7, lr;
	s5 =	simm.s32 $0xFFFFFFFF;
	p2 =	slt.u32 s8, $0xFFFFF086  }
0x1c: {  	p1 =	slt.u32 s9, $0xF7A;
	s5 =	simm.s32 @!p2 $0x0  }
0x1d: {  	s5 =	simm.s32 @p1 $0x1;
	p0 =	seq.s32 s7, s2  }
0x1e: {  	s7 =	smul.u32 @!p0 $0xF7A, s2;
	p2 =	seq.s32 @!p0 s5, $0x0  }
0x1f: {  	s9 =	smul.u32 $0xF7A, s1;
	s8 =	simm.s32 @!p0 $0x1BF5;
	p2 =	por !p2, p0  }
0x20: {  	[sflag:s8] =	ssyncset.s32 @!p0 $0xFFFFF086;
	s6 =	sadd.s32 @!p0 s3, s7;
	s7 =	simm.s32 @!p0 $0x108  }
0x21: {  	s3 =	sadd.s32 s3, s9;
	s6 =	sadd.s32 @!p0 $0x88, s6;
	s7 =	simm.s32 @p2 $0x1082  }
0x22: {  	[simem:s7], [sflag:s8] =	dma.local @!p0 [hbm:s6], $0xF7A  }
0x23: {  	s9 =	sor.u32 $0xD0000000, s2;
	s6 =	simm.s32 $0x108;
	_ =	swait.ge @!p0 [sflag:s8], $0x0  }
0x24: {  	s3 =	sadd.s32 $0x88, s3;
	s6 =	simm.s32 @!p1 $0x1082;
	[sflag:s4] =	ssyncset.s32 $0xFFFFF086  }
0x25: {  	[simem:s6], [sflag:s4] =	dma.local [hbm:s3], $0xF7A  }
0x26: {  	[smem:$0x3F98] =	sst s1;
	(tag) =	ssettag s2;
	_ =	strace s9  }
0x27: {  	s1 =	sld [smem:$0x3FA8]  }
0x28: {  	s2 =	sld [smem:$0x3FA9]  }
0x29: {  	s4 =	sld [smem:$0x3FAB]  }
0x2a: {  	p0 =	seq.s32 s5, $0x0;
	s5 =	sld [smem:$0x3FAC]  }
0x2b: {  	s6 =	sld [smem:$0x3FAD]  }
0x2c: {  	s7 =	sld [smem:$0x3FAE]  }
0x2d: {  	s3 =	simm.s32 $0x108;
	s8 =	sld [smem:$0x3FAF]  }
0x2e: {  	s3 =	simm.s32 @!p0 $0x1082;
	s9 =	sld [smem:$0x3FB0]  }
0x2f: {  	lr =	sadd.s32 s0, s3;
	s0 =	sld [smem:$0x3FA7]  }
0x30: {  	s3 =	sld [smem:$0x3FAA]  }
0x31: {  	[smem:$0x3FB3] =	sst s10  }
0x32: {  	s10 =	sld [smem:$0x3FB1];
	_ =	sdelay $0x3  }
0x33: {  	p0 =	seq.s32 s10, $0x1;
	s10 =	sld [smem:$0x3FB3];
	_ =	sdelay $0x3  }
0x34: {  	[smem:$0x3FB3] =	sst s10  }
0x35: {  	s10 =	sld [smem:$0x3FB2];
	_ =	sdelay $0x3  }
0x36: {  	p1 =	seq.s32 s10, $0x1;
	s10 =	sld [smem:$0x3FB3];
	_ =	sdelay $0x3  }
0x37: {  	[smem:$0x3FB3] =	sst s10  }
0x38: {  	s10 =	sld [smem:$0x3FB4]  }
0x39: {  	_ = 	snop;
	(pc) =	sbr.ind lr, $3  }
0x3a: {  	_ = 	snop  }
0x3b: {  	_ = 	snop  }
0x3c: {  	p2 =	seq.s32 s10, $0x1;
	s10 =	sld [smem:$0x3FB3]  }
0x3d: {  	_ =	shalt  }
0x3e: {  	_ =	shalt  }
0x3f: {  	_ =	shalt  }
0x40: {  	_ =	shalt  }
0x41: {  	_ =	shalt  }
0x42: {  	_ =	shalt  }
0x43: {  	_ =	shalt  }
0x44: {  	_ =	shalt  }
0x45: {  	_ =	shalt  }
0x46: {  	_ =	shalt  }
0x47: {  	_ =	shalt  }
0x48: {  	_ =	shalt  }
0x49: {  	_ =	shalt  }
0x4a: {  	_ =	shalt  }
0x4b: {  	_ =	shalt  }
0x4c: {  	_ =	shalt  }
0x4d: {  	_ =	shalt  }
0x4e: {  	_ =	shalt  }
0x4f: {  	_ =	shalt  }
0x50: {  	_ =	shalt  }
0x51: {  	_ =	shalt  }
0x52: {  	_ =	shalt  }
0x53: {  	_ =	shalt  }
0x54: {  	_ =	shalt  }
0x55: {  	_ =	shalt  }
0x56: {  	_ =	shalt  }
0x57: {  	_ =	shalt  }
0x58: {  	_ =	shalt  }
0x59: {  	_ =	shalt  }
0x5a: {  	_ =	shalt  }
0x5b: {  	_ =	shalt  }
0x5c: {  	_ =	shalt  }
0x5d: {  	_ =	shalt  }
0x5e: {  	_ =	shalt  }
0x5f: {  	_ =	shalt  }
0x60: {  	_ =	shalt  }
0x61: {  	_ =	shalt  }
0x62: {  	_ =	shalt  }
0x63: {  	_ =	shalt  }
0x64: {  	_ =	shalt  }
0x65: {  	_ =	shalt  }
0x66: {  	_ =	shalt  }
0x67: {  	_ =	shalt  }
0x68: {  	_ =	shalt  }
0x69: {  	_ =	shalt  }
0x6a: {  	_ =	shalt  }
0x6b: {  	_ =	shalt  }
0x6c: {  	_ =	shalt  }
0x6d: {  	_ =	shalt  }
0x6e: {  	_ =	shalt  }
0x6f: {  	_ =	shalt  }
0x70: {  	_ =	shalt  }
0x71: {  	_ =	shalt  }
0x72: {  	_ =	shalt  }
0x73: {  	_ =	shalt  }
0x74: {  	_ =	shalt  }
0x75: {  	_ =	shalt  }
0x76: {  	_ =	shalt  }
0x77: {  	_ =	shalt  }
0x78: {  	_ =	shalt  }
0x79: {  	_ =	shalt  }
0x7a: {  	_ =	shalt  }
0x7b: {  	_ =	shalt  }
0x7c: {  	_ =	shalt  }
0x7d: {  	_ =	shalt  }
0x7e: {  	_ =	shalt  }
0x7f: {  	_ =	shalt  }
0x80: {  	_ =	shalt  }
0x81: {  	_ =	shalt  }
0x82: {  	_ =	shalt  }
0x83: {  	_ =	shalt  }
0x84: {  	_ =	shalt  }
0x85: {  	_ =	shalt  }
0x86: {  	_ =	shalt  }
0x87: {  	_ =	shalt  }
.Lfunc_end0:
.L_simem_size_0:
called_computation_lowered:
.L_overlay_start_0:
0x88: {  	s2 =	sld [smem:$0x3FD9]  }
0x89: {  	s3 =	sld [smem:$0x3FFE];
	_ =	sdelay $0x1  }
0x8a: {  	s1 =	srdreg.scid  }
0x8b: {  	s0 =	sand.u32 $0x1, s1  }
0x8c: {  	s17 =	sshll.u32 s0, $0xA;
	s2 =	sadd.s32 s3, s2  }
0x8d: {  	s2 =	sadd.s32 s2, s17  }
0x8e: {  	[smem:$0x3FBF] =	sst s2  }
0x8f: {  	_ = 	snop  }
0x90: {  	s2 =	sld [smem:$0x3FD0];
	(tm) =	ssettm $0x1  }
0x91: {  	s18 =	sld [smem:$0x3FFB];
	_ =	sdelay $0x3  }
0x92: {  	_ =	strace s18  }
0x93: {  	s3 =	sld [smem:$0x3FFC];
	_ =	sdelay $0x3  }
0x94: {  	_ =	strace s3  }
0x95: {  	s3 =	sld [smem:$0x3FFD];
	_ =	sdelay $0x3  }
0x96: {  	_ =	strace s3  }
0x97: {  	_ =	strace $0x8FFFFFFF  }
0x98: {  	s19 =	sld [smem:$0x3FDB];
	_ =	sdelay $0x1  }
0x99: {  	s4 =	simm.s32 $_scs_section_size  }
0x9a: {  	s5 =	simm.s32 $_size__tile_overlayer_lowered;
	s6 =	simm.s32 $_tile_overlayer_lowered  }
0x9b: {  	s22 =	simm.s32 $0x1BFF;
	s21 =	sshll.u32 s6, $0x1;
	s3 =	sadd.s32 s4, s19  }
0x9c: {  	s7 =	simm.s32 $0x0;
	s20 =	sshll.u32 s5, $0x1;
	s5 =	sadd.s32 s21, s3  }
0x9d: {  	[timem:s7], [sflag:s22] =	dma.local [hbm:s5], s20  }
0x9e: {  	_ =	swait.ge [sflag:s22], s20  }
0x9f: {  	s4 =	ssub.s32 $0x0, s20;
	[sflag:s22] =	ssyncset.done $0x0  }
0xa0: {  	[sflag:s22] =	ssyncadd.s32 s4;
	_ =	sdelay $0x1  }
0xa1: {  	s23 =	simm.s32 $0x1B8B  }
0xa2: {  	_ =	swait.ge [sflag:s23], $0x1  }
0xa3: {  	[sflag:s23] =	ssyncset.done $0x0  }
0xa4: {  	s25 =	simm.s32 $0x1B8E;
	s24 =	sld [smem:$0x3FFE];
	[sflag:s23] =	ssyncadd.s32 $0xFFFFFFFF  }
0xa5: {  	s26 =	simm.s32 $execute0_lowered;
	[smem:$0x3FD2] =	sst s25  }
0xa6: {  	s5 =	sshll.u32 s26, $0x1;
	_ =	strace $0x80000046;
	[dreg:$0x1] =	wrdreg $0xFFFFFFFF  }
0xa7: {  	s28 =	simm.s32 $_size_execute0_lowered;
	s3 =	sadd.s32 s3, s5;
	[dreg:$0x0] =	wrdreg $0x0  }
0xa8: {  	s5 =	sshll.u32 s28, $0x1;
	[dreg:$0x2] =	wrdreg s3  }
0xa9: {  	[dreg:$0x3] =	wrdreg s5  }
0xaa: {  	[dreg:$0x4] =	wrdreg $0xC0  }
0xab: {  	_ =	task [dreg:s7], $0x5FFFF  }
0xac: {  	[dreg:$0x1] =	wrdreg $0xFFFFFFFF  }
0xad: {  	[dreg:$0x0] =	wrdreg $0x60  }
0xae: {  	[dreg:$0x2] =	wrdreg s24  }
0xaf: {  	[dreg:$0x3] =	wrdreg s2  }
0xb0: {  	[dreg:$0x4] =	wrdreg $0x9  }
0xb1: {  	_ =	task.clear_ibuf [dreg:s7], $0x5FFFF;
	_ =	strace $0x90000046  }
0xb2: {  	s29 =	simm.s32 $0x9;
	_ =	strace $0x80000048  }
0xb3: {  	_ =	swait.ge [sflag:s29], $0x1  }
0xb4: {  	[sflag:s29] =	ssyncadd.s32 $0xFFFFFFFF  }
0xb5: {  	_ =	strace $0x90000048  }
0xb6: {  	_ =	sfence  }
0xb7: {  	s30 =	sld [smem:$0x0];
	_ =	sdelay $0x2  }
0xb8: {  	s31 =	sshll.u32 s1, $0xD;
	s1 =	sshrl.u32 s1, $0x2  }
0xb9: {  	s3 =	sand.u32 $0x4000, s31;
	s1 =	sadd.s32 s1, s30  }
0xba: {  	s0 =	sor.u32 s3, s0;
	s1 =	sshll.u32 s1, $0x11  }
0xbb: {  	s0 =	sor.u32 s1, s0  }
0xbc: {  	s0 =	sadd.s32 $0x8F2B, s0  }
0xbd: {  	[sflag:s0] =	ssyncadd.remote.s32 $0x1  }
0xbe: {  	_ =	sfence.sel $0xFFFF  }
0xbf: {  	[dreg:$0x0] =	wrdreg $0xFFFFFFFF;
	(pc) =	sbr.abs _section_cstart, $3  }
0xc0: {  	[dreg:$0x1] =	wrdreg $0xFFFFFFFF  }
0xc1: {  	_ =	task.clear_ibuf [dreg:s7], $0x2FFFF;
	_ =	strace $0x9FFFFFFF  }
0xc2: {  	(tm) =	ssettm $0x7FFFFFFF  }
0xc3: {  	_ =	shalt  }
tec
execute0_lowered:
.L_overlay_start_1:
0x0: {  	(tag) =	ssettag $0x1  }
0x1: {  	s0 =	rddreg [dreg:$0x0]  }
0x2: {  	s4 =	rddreg [dreg:$0x1];
	s3 =	srdreg.scid  }
0x3: {  	s1 =	stileid.u32;
	s2 =	simm.s32 $0x0;
	s18 =	simm.s32 $0x900  }
0x4: {  	s19 =	simm.s32 $0x1100;
	s20 =	simm.s32 $0x1900;
	s21 =	simm.s32 $0x2100  }
0x5: {  	s22 =	simm.s32 $0x2900;
	s23 =	simm.s32 $0x3100;
	[smem:$0x7FF] =	sst s2  }
0x6: {  	s24 =	simm.s32 $0x3900;
	_ =	strace $0x80000047;
	[dreg:$0x5] =	wrdreg s18  }
0x7: {  	s25 =	simm.s32 $0x4100;
	s11 =	simm.s32 $0x5900;
	[dreg:$0x6] =	wrdreg s19  }
0x8: {  	s12 =	simm.s32 $0x6100;
	s28 =	simm.s32 $0xD900;
	[dreg:$0x7] =	wrdreg s20  }
0x9: {  	s29 =	simm.s32 $0xE100;
	s30 =	simm.s32 $0xE900;
	[dreg:$0x8] =	wrdreg s21  }
0xa: {  	s31 =	simm.s32 $0xF100;
	s5 =	sand.u32 $0x1, s3;
	[dreg:$0x9] =	wrdreg s22  }
0xb: {  	s13 =	sshll.u32 s1, $0x1;
	p0 =	sgt.u32 s1, $0x7;
	[dreg:$0xa] =	wrdreg s23  }
0xc: {  	s3 =	sadd.s32 $0x1600, s0;
	s6 =	sor.u32 s5, s13;
	[dreg:$0xb] =	wrdreg s24  }
0xd: {  	s5 =	ssub.s32 $0x2, s5;
	[dreg:$0xc] =	wrdreg s25;
	s13 =	simm.s32 $0x6900  }
0xe: {  	s18 =	simm.s32 $0x9100;
	s19 =	simm.s32 $0x9900;
	s20 =	simm.s32 $0xA100  }
0xf: {  	s21 =	simm.s32 $0xA900;
	s22 =	simm.s32 $0xB100;
	s23 =	simm.s32 $0xB900  }
0x10: {  	s24 =	simm.s32 $0xC100;
	s25 =	simm.s32 $0xC900;
	s7 =	sadd.s32 $0xFFFFFFF0, s6  }
0x11: {  	s8 =	smov.u32 s6;
	s9 =	sshll.u32 s6, $0x5;
	s14 =	sshrl.u32 s5, $0x1  }
0x12: {  	s16 =	sshll.u32 s6, $0xD;
	s6 =	simm.s32 $0x1;
	s8 =	smov.u32 @p0 s7  }
0x13: {  	s9 =	sadd.s32 s9, s0;
	s7 =	sshll.u32 s7, $0x5;
	s4 =	sadd.s32 s4, s16  }
0x14: {  	s16 =	simm.s32 $0x8100;
	s10 =	sand.u32 $0x80, s8;
	s7 =	sand.u32 $0x1FFFFFE0, s7  }
0x15: {  	s15 =	sand.u32 $0x1, s8;
	p0 =	slt.s32 s8, $0x1;
	s17 =	sadd.s32 $0x1000, s4  }
0x16: {  	s10 =	sshrl.u32 s10, $0x7;
	s0 =	sadd.s32 s7, s0;
	s7 =	ssub.s32 s5, s14  }
0x17: {  	p1 =	seq.s32 s15, $0x1;
	s5 =	sadd.s32 $0x101600, s9;
	[dreg:$0x3] =	wrdreg s17  }
0x18: {  	s14 =	simm.s32 $0x7100;
	s15 =	simm.s32 $0x7900;
	s17 =	simm.s32 $0x8900  }
0x19: {  	s10 =	sadd.s32 s10, s8;
	p0 =	por !p0, !p1;
	s0 =	sadd.s32 $0x101800, s0  }
0x1a: {  	p1 =	slt.u32 s1, $0x8;
	s8 =	simm.s32 $0x100;
	p0 =	por !p0, !p0  }
0x1b: {  	s10 =	sshrl.u32 s10, $0x1;
	s0 =	smov.u32 @p1 s5;
	s6 =	simm.s32 @!p0 $0x0  }
0x1c: {  	v3 =	vlaneseq.u32;
	s5 =	simm.s32 $0x1;
	[dreg:$0x4] =	wrdreg s0;
	s6 =	ssub.s32 s10, s6  }
0x1d: {  	vm0 =	vmmov $0xffff;
	v1 =	vand.u32 $0x7, v3;
	v2 =	vshrl.u32 v3, $0x3;
	s0 =	simm.s32 $0xF900;
	s10 =	simm.s32 $0x5100;
	s26 =	sshll.u32 s6, $0xC  }
0x1e: {  	v3 =	vor.u32 $0x8, v3;
	v2 =	vmul.u32 $0x8, v2;
	s6 =	smax.u32 s7, $0x1;
	s7 =	simm.s32 $0x2;
	v0 =	vmov s26;
	s26 =	simm.s32 $0xD100  }
.LBB2_1:
0x1f: {  	s1 =	rddreg [dreg:$0x4]  }
0x20: {  	[tilespmem:s2], [sflag:$0x2] =	stream.linear.gather [hbm4b:s1+s2], $0x100, $0x38;
	[tilespmem:$0x10100] =	vst v63  }
0x21: {  	_ =	swait.ge [sflag:s7], $0x100  }
0x22: {  	[sflag:s7] =	ssyncset.done $0x0  }
0x23: {  	[sflag:s7] =	ssyncadd.s32 $0xFFFFFF00  }
0x24: {  	v4 =	vld [tilespmem:$0x0]  }
0x25: {  	v5 =	vld [tilespmem:$0x10]  }
0x26: {  	v6 =	vld [tilespmem:$0x20]  }
0x27: {  	v7 =	vld [tilespmem:$0x30]  }
0x28: {  	v8 =	vld [tilespmem:$0x40]  }
0x29: {  	v10 =	vld [tilespmem:$0x50];
	v9 =	vadd.s32 v0, v4  }
0x2a: {  	v11 =	vld [tilespmem:$0x60];
	v5 =	vadd.s32 v0, v5;
	[tilespmem:$0x0] =	vst v9  }
0x2b: {  	v53 =	vld [tilespmem:$0x70];
	[tilespmem:$0x10] =	vst v5;
	v5 =	vadd.s32 v0, v6  }
0x2c: {  	v54 =	vld [tilespmem:$0x80];
	[tilespmem:$0x20] =	vst v5;
	v5 =	vadd.s32 v0, v7  }
0x2d: {  	v55 =	vld [tilespmem:$0x90];
	[tilespmem:$0x30] =	vst v5;
	v5 =	vadd.s32 v0, v8  }
0x2e: {  	v56 =	vld [tilespmem:$0xA0];
	[tilespmem:$0x40] =	vst v5;
	v5 =	vadd.s32 v0, v10  }
0x2f: {  	v57 =	vld [tilespmem:$0xB0];
	[tilespmem:$0x50] =	vst v5;
	v5 =	vadd.s32 v0, v11  }
0x30: {  	v58 =	vld [tilespmem:$0xC0];
	v9 =	vshll.u32 v9, $0x1;
	[tilespmem:$0x60] =	vst v5;
	v5 =	vadd.s32 v0, v53  }
0x31: {  	v59 =	vld [tilespmem:$0xD0];
	v4 =	vand.u32 $0x7, v4;
	v9 =	vand.u32 $0xFFFFFFF0, v9;
	[tilespmem:$0x70] =	vst v5;
	v5 =	vadd.s32 v0, v54  }
0x32: {  	v60 =	vld [tilespmem:$0xE0];
	v4 =	vor.u32 v4, v9;
	[tilespmem:$0x80] =	vst v5;
	v5 =	vadd.s32 v0, v55  }
0x33: {  	v61 =	vld [tilespmem:$0xF0];
	v62 =	vperm.xlane v4, v1;
	[tilespmem:$0x90] =	vst v5;
	v5 =	vadd.s32 v0, v56  }
0x34: {  	[tilespmem:$0xA0] =	vst v5;
	v5 =	vadd.s32 v0, v57  }
0x35: {  	v4 =	vperm.xlane v4, v3;
	v63 =	vadd.s32 v2, v62;
	[tilespmem:$0xB0] =	vst v5;
	v5 =	vadd.s32 v0, v58  }
0x36: {  	[tilespmem:$0xC0] =	vst v5;
	v5 =	vadd.s32 v0, v59  }
0x37: {  	v4 =	vadd.s32 v2, v4;
	[tilespmem:$0xD0] =	vst v5;
	v5 =	vadd.s32 v0, v60  }
0x38: {  	[tilespmem:$0xE0] =	vst v5;
	v5 =	vadd.s32 v0, v61  }
0x39: {  	[tilespmem:$0xF0] =	vst v5  }
0x3a: {  	[tilespmem:s8], [sflag:$0x1] =	stream.indirect_vreg.gather [hbm4b:s3+s2], $0x80, v63, vm0, $0xb8;
	[tilespmem:$0x10100] =	vst v63  }
0x3b: {  	s9 =	rddreg [dreg:$0x5]  }
0x3c: {  	[tilespmem:s9], [sflag:$0x1] =	stream.indirect_vreg.gather [hbm4b:s3+s2], $0x80, v4, vm0, $0xb8;
	[tilespmem:$0x10100] =	vst v63  }
0x3d: {  	v4 =	vld [tilespmem:$0x10];
	_ =	sdelay $0x4  }
0x3e: {  	v5 =	vshll.u32 v4, $0x1  }
0x3f: {  	v4 =	vand.u32 $0x7, v4;
	v5 =	vand.u32 $0xFFFFFFF0, v5  }
0x40: {  	v4 =	vor.u32 v4, v5  }
0x41: {  	v5 =	vperm.xlane v4, v1;
	_ =	sdelay $0x1  }
0x42: {  	v4 =	vperm.xlane v4, v3;
	v5 =	vadd.s32 v2, v5;
	_ =	sdelay $0x1  }
0x43: {  	v4 =	vadd.s32 v2, v4;
	_ =	sdelay $0x1  }
0x44: {  	s1 =	rddreg [dreg:$0x6]  }
0x45: {  	[tilespmem:s1], [sflag:$0x1] =	stream.indirect_vreg.gather [hbm4b:s3+s2], $0x80, v5, vm0, $0xb8;
	[tilespmem:$0x10100] =	vst v63  }
0x46: {  	s9 =	rddreg [dreg:$0x7]  }
0x47: {  	[tilespmem:s9], [sflag:$0x1] =	stream.indirect_vreg.gather [hbm4b:s3+s2], $0x80, v4, vm0, $0xb8;
	[tilespmem:$0x10100] =	vst v63  }
0x48: {  	v4 =	vld [tilespmem:$0x20];
	_ =	sdelay $0x4  }
0x49: {  	v5 =	vshll.u32 v4, $0x1  }
0x4a: {  	v4 =	vand.u32 $0x7, v4;
	v5 =	vand.u32 $0xFFFFFFF0, v5  }
0x4b: {  	v4 =	vor.u32 v4, v5  }
0x4c: {  	v5 =	vperm.xlane v4, v1;
	_ =	sdelay $0x1  }
0x4d: {  	v4 =	vperm.xlane v4, v3;
	v5 =	vadd.s32 v2, v5;
	_ =	sdelay $0x1  }
0x4e: {  	v4 =	vadd.s32 v2, v4;
	_ =	sdelay $0x1  }
0x4f: {  	s1 =	rddreg [dreg:$0x8]  }
0x50: {  	[tilespmem:s1], [sflag:$0x1] =	stream.indirect_vreg.gather [hbm4b:s3+s2], $0x80, v5, vm0, $0xb8;
	[tilespmem:$0x10100] =	vst v63  }
0x51: {  	s9 =	rddreg [dreg:$0x9]  }
0x52: {  	[tilespmem:s9], [sflag:$0x1] =	stream.indirect_vreg.gather [hbm4b:s3+s2], $0x80, v4, vm0, $0xb8;
	[tilespmem:$0x10100] =	vst v63  }
0x53: {  	v4 =	vld [tilespmem:$0x30];
	_ =	sdelay $0x4  }
0x54: {  	v5 =	vshll.u32 v4, $0x1  }
0x55: {  	v4 =	vand.u32 $0x7, v4;
	v5 =	vand.u32 $0xFFFFFFF0, v5  }
0x56: {  	v4 =	vor.u32 v4, v5  }
0x57: {  	v5 =	vperm.xlane v4, v1;
	_ =	sdelay $0x1  }
0x58: {  	v4 =	vperm.xlane v4, v3;
	v5 =	vadd.s32 v2, v5;
	_ =	sdelay $0x1  }
0x59: {  	v4 =	vadd.s32 v2, v4;
	_ =	sdelay $0x1  }
0x5a: {  	s1 =	rddreg [dreg:$0xa]  }
0x5b: {  	[tilespmem:s1], [sflag:$0x1] =	stream.indirect_vreg.gather [hbm4b:s3+s2], $0x80, v5, vm0, $0xb8;
	[tilespmem:$0x10100] =	vst v63  }
0x5c: {  	s9 =	rddreg [dreg:$0xb]  }
0x5d: {  	[tilespmem:s9], [sflag:$0x1] =	stream.indirect_vreg.gather [hbm4b:s3+s2], $0x80, v4, vm0, $0xb8;
	[tilespmem:$0x10100] =	vst v63  }
0x5e: {  	v4 =	vld [tilespmem:$0x40];
	_ =	sdelay $0x4  }
0x5f: {  	v5 =	vshll.u32 v4, $0x1  }
0x60: {  	v4 =	vand.u32 $0x7, v4;
	v5 =	vand.u32 $0xFFFFFFF0, v5  }
0x61: {  	v4 =	vor.u32 v4, v5  }
0x62: {  	v5 =	vperm.xlane v4, v1;
	_ =	sdelay $0x1  }
0x63: {  	v4 =	vperm.xlane v4, v3;
	v5 =	vadd.s32 v2, v5;
	_ =	sdelay $0x1  }
0x64: {  	v4 =	vadd.s32 v2, v4;
	_ =	sdelay $0x1  }
0x65: {  	s9 =	rddreg [dreg:$0xc]  }
0x66: {  	[tilespmem:s9], [sflag:$0x1] =	stream.indirect_vreg.gather [hbm4b:s3+s2], $0x80, v5, vm0, $0xb8;
	[tilespmem:$0x10100] =	vst v63  }
0x67: {  	s9 =	simm.s32 $0x4900  }
0x68: {  	[tilespmem:s9], [sflag:$0x1] =	stream.indirect_vreg.gather [hbm4b:s3+s2], $0x80, v4, vm0, $0xb8;
	[tilespmem:$0x10100] =	vst v63  }
0x69: {  	v4 =	vld [tilespmem:$0x50];
	_ =	sdelay $0x4  }
0x6a: {  	v5 =	vshll.u32 v4, $0x1  }
0x6b: {  	v4 =	vand.u32 $0x7, v4;
	v5 =	vand.u32 $0xFFFFFFF0, v5  }
0x6c: {  	v4 =	vor.u32 v4, v5  }
0x6d: {  	v5 =	vperm.xlane v4, v1;
	_ =	sdelay $0x1  }
0x6e: {  	v4 =	vperm.xlane v4, v3;
	v5 =	vadd.s32 v2, v5;
	_ =	sdelay $0x1  }
0x6f: {  	v4 =	vadd.s32 v2, v4;
	_ =	sdelay $0x2  }
0x70: {  	[tilespmem:s10], [sflag:$0x1] =	stream.indirect_vreg.gather [hbm4b:s3+s2], $0x80, v5, vm0, $0xb8;
	[tilespmem:$0x10100] =	vst v63  }
0x71: {  	_ = 	snop  }
0x72: {  	[tilespmem:s11], [sflag:$0x1] =	stream.indirect_vreg.gather [hbm4b:s3+s2], $0x80, v4, vm0, $0xb8;
	[tilespmem:$0x10100] =	vst v63  }
0x73: {  	v4 =	vld [tilespmem:$0x60];
	_ =	sdelay $0x4  }
0x74: {  	v5 =	vshll.u32 v4, $0x1  }
0x75: {  	v4 =	vand.u32 $0x7, v4;
	v5 =	vand.u32 $0xFFFFFFF0, v5  }
0x76: {  	v4 =	vor.u32 v4, v5  }
0x77: {  	v5 =	vperm.xlane v4, v1;
	_ =	sdelay $0x1  }
0x78: {  	v4 =	vperm.xlane v4, v3;
	v5 =	vadd.s32 v2, v5;
	_ =	sdelay $0x1  }
0x79: {  	v4 =	vadd.s32 v2, v4;
	_ =	sdelay $0x2  }
0x7a: {  	[tilespmem:s12], [sflag:$0x1] =	stream.indirect_vreg.gather [hbm4b:s3+s2], $0x80, v5, vm0, $0xb8;
	[tilespmem:$0x10100] =	vst v63  }
0x7b: {  	_ = 	snop  }
0x7c: {  	[tilespmem:s13], [sflag:$0x1] =	stream.indirect_vreg.gather [hbm4b:s3+s2], $0x80, v4, vm0, $0xb8;
	[tilespmem:$0x10100] =	vst v63  }
0x7d: {  	v4 =	vld [tilespmem:$0x70];
	_ =	sdelay $0x4  }
0x7e: {  	v5 =	vshll.u32 v4, $0x1  }
0x7f: {  	v4 =	vand.u32 $0x7, v4;
	v5 =	vand.u32 $0xFFFFFFF0, v5  }
0x80: {  	v4 =	vor.u32 v4, v5  }
0x81: {  	v5 =	vperm.xlane v4, v1;
	_ =	sdelay $0x1  }
0x82: {  	v4 =	vperm.xlane v4, v3;
	v5 =	vadd.s32 v2, v5;
	_ =	sdelay $0x1  }
0x83: {  	v4 =	vadd.s32 v2, v4;
	_ =	sdelay $0x2  }
0x84: {  	[tilespmem:s14], [sflag:$0x1] =	stream.indirect_vreg.gather [hbm4b:s3+s2], $0x80, v5, vm0, $0xb8;
	[tilespmem:$0x10100] =	vst v63  }
0x85: {  	_ = 	snop  }
0x86: {  	[tilespmem:s15], [sflag:$0x1] =	stream.indirect_vreg.gather [hbm4b:s3+s2], $0x80, v4, vm0, $0xb8;
	[tilespmem:$0x10100] =	vst v63  }
0x87: {  	v4 =	vld [tilespmem:$0x80];
	_ =	sdelay $0x4  }
0x88: {  	v5 =	vshll.u32 v4, $0x1  }
0x89: {  	v4 =	vand.u32 $0x7, v4;
	v5 =	vand.u32 $0xFFFFFFF0, v5  }
0x8a: {  	v4 =	vor.u32 v4, v5  }
0x8b: {  	v5 =	vperm.xlane v4, v1;
	_ =	sdelay $0x1  }
0x8c: {  	v4 =	vperm.xlane v4, v3;
	v5 =	vadd.s32 v2, v5;
	_ =	sdelay $0x1  }
0x8d: {  	v4 =	vadd.s32 v2, v4;
	_ =	sdelay $0x2  }
0x8e: {  	[tilespmem:s16], [sflag:$0x1] =	stream.indirect_vreg.gather [hbm4b:s3+s2], $0x80, v5, vm0, $0xb8;
	[tilespmem:$0x10100] =	vst v63  }
0x8f: {  	_ = 	snop  }
0x90: {  	[tilespmem:s17], [sflag:$0x1] =	stream.indirect_vreg.gather [hbm4b:s3+s2], $0x80, v4, vm0, $0xb8;
	[tilespmem:$0x10100] =	vst v63  }
0x91: {  	v4 =	vld [tilespmem:$0x90];
	_ =	sdelay $0x4  }
0x92: {  	v5 =	vshll.u32 v4, $0x1  }
0x93: {  	v4 =	vand.u32 $0x7, v4;
	v5 =	vand.u32 $0xFFFFFFF0, v5  }
0x94: {  	v4 =	vor.u32 v4, v5  }
0x95: {  	v5 =	vperm.xlane v4, v1;
	_ =	sdelay $0x1  }
0x96: {  	v4 =	vperm.xlane v4, v3;
	v5 =	vadd.s32 v2, v5;
	_ =	sdelay $0x1  }
0x97: {  	v4 =	vadd.s32 v2, v4;
	_ =	sdelay $0x2  }
0x98: {  	[tilespmem:s18], [sflag:$0x1] =	stream.indirect_vreg.gather [hbm4b:s3+s2], $0x80, v5, vm0, $0xb8;
	[tilespmem:$0x10100] =	vst v63  }
0x99: {  	_ = 	snop  }
0x9a: {  	[tilespmem:s19], [sflag:$0x1] =	stream.indirect_vreg.gather [hbm4b:s3+s2], $0x80, v4, vm0, $0xb8;
	[tilespmem:$0x10100] =	vst v63  }
0x9b: {  	v4 =	vld [tilespmem:$0xA0];
	_ =	sdelay $0x4  }
0x9c: {  	v5 =	vshll.u32 v4, $0x1  }
0x9d: {  	v4 =	vand.u32 $0x7, v4;
	v5 =	vand.u32 $0xFFFFFFF0, v5  }
0x9e: {  	v4 =	vor.u32 v4, v5  }
0x9f: {  	v5 =	vperm.xlane v4, v1;
	_ =	sdelay $0x1  }
0xa0: {  	v4 =	vperm.xlane v4, v3;
	v5 =	vadd.s32 v2, v5;
	_ =	sdelay $0x1  }
0xa1: {  	v4 =	vadd.s32 v2, v4;
	_ =	sdelay $0x2  }
0xa2: {  	[tilespmem:s20], [sflag:$0x1] =	stream.indirect_vreg.gather [hbm4b:s3+s2], $0x80, v5, vm0, $0xb8;
	[tilespmem:$0x10100] =	vst v63  }
0xa3: {  	_ = 	snop  }
0xa4: {  	[tilespmem:s21], [sflag:$0x1] =	stream.indirect_vreg.gather [hbm4b:s3+s2], $0x80, v4, vm0, $0xb8;
	[tilespmem:$0x10100] =	vst v63  }
0xa5: {  	v4 =	vld [tilespmem:$0xB0];
	_ =	sdelay $0x4  }
0xa6: {  	v5 =	vshll.u32 v4, $0x1  }
0xa7: {  	v4 =	vand.u32 $0x7, v4;
	v5 =	vand.u32 $0xFFFFFFF0, v5  }
0xa8: {  	v4 =	vor.u32 v4, v5  }
0xa9: {  	v5 =	vperm.xlane v4, v1;
	_ =	sdelay $0x1  }
0xaa: {  	v4 =	vperm.xlane v4, v3;
	v5 =	vadd.s32 v2, v5;
	_ =	sdelay $0x1  }
0xab: {  	v4 =	vadd.s32 v2, v4;
	_ =	sdelay $0x2  }
0xac: {  	[tilespmem:s22], [sflag:$0x1] =	stream.indirect_vreg.gather [hbm4b:s3+s2], $0x80, v5, vm0, $0xb8;
	[tilespmem:$0x10100] =	vst v63  }
0xad: {  	_ = 	snop  }
0xae: {  	[tilespmem:s23], [sflag:$0x1] =	stream.indirect_vreg.gather [hbm4b:s3+s2], $0x80, v4, vm0, $0xb8;
	[tilespmem:$0x10100] =	vst v63  }
0xaf: {  	v4 =	vld [tilespmem:$0xC0];
	_ =	sdelay $0x4  }
0xb0: {  	v5 =	vshll.u32 v4, $0x1  }
0xb1: {  	v4 =	vand.u32 $0x7, v4;
	v5 =	vand.u32 $0xFFFFFFF0, v5  }
0xb2: {  	v4 =	vor.u32 v4, v5  }
0xb3: {  	v5 =	vperm.xlane v4, v1;
	_ =	sdelay $0x1  }
0xb4: {  	v4 =	vperm.xlane v4, v3;
	v5 =	vadd.s32 v2, v5;
	_ =	sdelay $0x1  }
0xb5: {  	v4 =	vadd.s32 v2, v4;
	_ =	sdelay $0x2  }
0xb6: {  	[tilespmem:s24], [sflag:$0x1] =	stream.indirect_vreg.gather [hbm4b:s3+s2], $0x80, v5, vm0, $0xb8;
	[tilespmem:$0x10100] =	vst v63  }
0xb7: {  	_ = 	snop  }
0xb8: {  	[tilespmem:s25], [sflag:$0x1] =	stream.indirect_vreg.gather [hbm4b:s3+s2], $0x80, v4, vm0, $0xb8;
	[tilespmem:$0x10100] =	vst v63  }
0xb9: {  	v4 =	vld [tilespmem:$0xD0];
	_ =	sdelay $0x4  }
0xba: {  	v5 =	vshll.u32 v4, $0x1  }
0xbb: {  	v4 =	vand.u32 $0x7, v4;
	v5 =	vand.u32 $0xFFFFFFF0, v5  }
0xbc: {  	v4 =	vor.u32 v4, v5  }
0xbd: {  	v5 =	vperm.xlane v4, v1;
	_ =	sdelay $0x1  }
0xbe: {  	v4 =	vperm.xlane v4, v3;
	v5 =	vadd.s32 v2, v5;
	_ =	sdelay $0x1  }
0xbf: {  	v4 =	vadd.s32 v2, v4;
	_ =	sdelay $0x2  }
0xc0: {  	[tilespmem:s26], [sflag:$0x1] =	stream.indirect_vreg.gather [hbm4b:s3+s2], $0x80, v5, vm0, $0xb8;
	[tilespmem:$0x10100] =	vst v63  }
0xc1: {  	_ = 	snop  }
0xc2: {  	[tilespmem:s28], [sflag:$0x1] =	stream.indirect_vreg.gather [hbm4b:s3+s2], $0x80, v4, vm0, $0xb8;
	[tilespmem:$0x10100] =	vst v63  }
0xc3: {  	v4 =	vld [tilespmem:$0xE0];
	_ =	sdelay $0x4  }
0xc4: {  	v5 =	vshll.u32 v4, $0x1  }
0xc5: {  	v4 =	vand.u32 $0x7, v4;
	v5 =	vand.u32 $0xFFFFFFF0, v5  }
0xc6: {  	v4 =	vor.u32 v4, v5  }
0xc7: {  	v5 =	vperm.xlane v4, v1;
	_ =	sdelay $0x1  }
0xc8: {  	v4 =	vperm.xlane v4, v3;
	v5 =	vadd.s32 v2, v5;
	_ =	sdelay $0x1  }
0xc9: {  	v4 =	vadd.s32 v2, v4;
	_ =	sdelay $0x2  }
0xca: {  	[tilespmem:s29], [sflag:$0x1] =	stream.indirect_vreg.gather [hbm4b:s3+s2], $0x80, v5, vm0, $0xb8;
	[tilespmem:$0x10100] =	vst v63  }
0xcb: {  	_ = 	snop  }
0xcc: {  	[tilespmem:s30], [sflag:$0x1] =	stream.indirect_vreg.gather [hbm4b:s3+s2], $0x80, v4, vm0, $0xb8;
	[tilespmem:$0x10100] =	vst v63  }
0xcd: {  	v4 =	vld [tilespmem:$0xF0];
	_ =	sdelay $0x4  }
0xce: {  	v5 =	vshll.u32 v4, $0x1  }
0xcf: {  	v4 =	vand.u32 $0x7, v4;
	v5 =	vand.u32 $0xFFFFFFF0, v5  }
0xd0: {  	v4 =	vor.u32 v4, v5  }
0xd1: {  	v5 =	vperm.xlane v4, v1;
	_ =	sdelay $0x1  }
0xd2: {  	v4 =	vperm.xlane v4, v3;
	v5 =	vadd.s32 v2, v5;
	_ =	sdelay $0x1  }
0xd3: {  	v4 =	vadd.s32 v2, v4;
	_ =	sdelay $0x2  }
0xd4: {  	[tilespmem:s31], [sflag:$0x1] =	stream.indirect_vreg.gather [hbm4b:s3+s2], $0x80, v5, vm0, $0xb8;
	[tilespmem:$0x10100] =	vst v63  }
0xd5: {  	_ = 	snop  }
0xd6: {  	[tilespmem:s0], [sflag:$0x1] =	stream.indirect_vreg.gather [hbm4b:s3+s2], $0x80, v4, vm0, $0xb8;
	[tilespmem:$0x10100] =	vst v63  }
0xd7: {  	_ =	swait.ge [sflag:s5], $0x8000  }
0xd8: {  	[sflag:s5] =	ssyncset.done $0x0  }
0xd9: {  	[sflag:s5] =	ssyncadd.s32 $0xFFFF8000  }
0xda: {  	_ =	swait.ge [sflag:s5], $0x8000  }
0xdb: {  	[sflag:s5] =	ssyncset.done $0x0  }
0xdc: {  	[sflag:s5] =	ssyncadd.s32 $0xFFFF8000  }
0xdd: {  	[hbm4b:s4+s2] =	stream.linear.scatter [tilespmem:s8], [sflag:$0x2], $0x8000, $0x38;
	[tilespmem:$0x10100] =	vst v63  }
0xde: {  	_ =	swait.ge [sflag:s7], $0x8000  }
0xdf: {  	p0 =	sne.s32 s6, $0x1;
	[sflag:s7] =	ssyncset.done $0x0  }
.Ltmp0:
0xe0: {  	s9 =	rddreg [dreg:$0x3];
	[sflag:s7] =	ssyncadd.s32 $0xFFFF8000;
	(pc) =	sbr.rel @p0 .LBB2_1-.Ltmp0, $4  }
0xe1: {  	[hbm4b:s9+s2] =	stream.linear.scatter [tilespmem:s16], [sflag:$0x2], $0x8000, $0x38;
	[tilespmem:$0x10100] =	vst v63  }
0xe2: {  	_ =	swait.ge [sflag:s7], $0x8000  }
0xe3: {  	[sflag:s7] =	ssyncset.done $0x0  }
0xe4: {  	s6 =	sadd.s32 $0xFFFFFFFF, s6;
	[sflag:s7] =	ssyncadd.s32 $0xFFFF8000  }
0xe5: {  	_ =	sfence.sel $0x180000  }
0xe6: {  	[bflag:$0x0] =	sbarrier.arrive $0xFFFF  }
0xe7: {  	_ =	strace $0x90000047  }
0xe8: {  	s0 =	stileid.u32;
	[bflag:$0x2] =	sbarrier.arrive $0xFFFF  }
0xe9: {  	p0 =	sne.s32 s0, $0x0;
	s0 =	rddreg [dreg:$0x2]  }
0xea: {  	s0 =	sadd.s32 @!p0 $0x100000, s0  }
0xeb: {  	[sflag:s0] =	ssyncadd.tile.s32 @!p0 $0x1;
	_ =	shalt  }
.Lfunc_end2:
_tile_overlayer_lowered:
.L_overlay_start_2:
0xec: {  	(tag) =	ssettag $0x2  }
0xed: {  	s0 =	rddreg [dreg:$0x0];
	s2 =	stileid.u32  }
0xee: {  	s1 =	rddreg [dreg:$0x1];
	p0 =	sne.s32 s2, $0x0  }
0xef: {  	s3 =	rddreg [dreg:$0x2];
	[bflag:$0x3] =	sbarrier.arrive $0xFFFF;
	s2 =	simm.s32 @!p0 $0x1C02  }
0xf0: {  	[timem:s3], [sflag:s2] =	dma.local @!p0 [hbm:s0], s1  }
0xf1: {  	s0 =	simm.s32 @!p0 $0x2  }
0xf2: {  	_ =	swait.ge @!p0 [sflag:s0], s1  }
0xf3: {  	s1 =	ssub.s32 @!p0 $0x0, s1;
	[sflag:s0] =	ssyncset.done @!p0 $0x0  }
0xf4: {  	[sflag:s0] =	ssyncadd.s32 @!p0 s1  }
0xf5: {  	[bflag:$0x3] =	sbarrier.arrive $0xFFFF  }
0xf6: {  	_ =	shalt  }

</sc_bundles>
